<compile_context>
chip_gen: v7x
topology: tpu7x:2x2x1
jax: 0.10.2.dev20260603
libtpu: 0.0.44.dev20260713+nightly
codegen_flags: <defaults>
</compile_context>

<pallas_src>
import functools

import jax
import jax.numpy as jnp
from jax import lax
from jax.experimental import pallas as pl
from jax.experimental.pallas import tpu as pltpu
from jax.experimental.pallas import tpu_sc as plsc

VOCAB_SIZE = 1000000
EMBED_DIM = 32
BATCH = 4096
POS = 200

HALF = POS // 2
NUM_WORKERS = 32
B_PER_W = BATCH // NUM_WORKERS
NB = 8
GROUPS = B_PER_W // NB

_mesh = plsc.VectorSubcoreMesh(core_axis_name="c", subcore_axis_name="s")


@functools.partial(
    pl.kernel,
    mesh=_mesh,
    out_type=jax.ShapeDtypeStruct((BATCH, POS, EMBED_DIM), jnp.float32),
    scratch_types=[
        pltpu.VMEM((2 * B_PER_W, HALF), jnp.int32),
        pltpu.VMEM((NB, POS, EMBED_DIM), jnp.float32),
        pltpu.SemaphoreType.DMA,
    ],
    compiler_params=pltpu.CompilerParams(use_tc_tiling_on_sc=False),
)
def _embed_gather(idx_hbm, table_hbm, out_hbm, idx_v, buf, sem):
    wid = lax.axis_index("s") * 2 + lax.axis_index("c")
    bbase = wid * B_PER_W
    pltpu.sync_copy(idx_hbm.at[pl.ds(2 * bbase, 2 * B_PER_W)], idx_v)

    def body(g, carry):
        for ib in range(NB):
            for h in range(2):
                pltpu.async_copy(
                    table_hbm.at[idx_v.at[2 * (g * NB + ib) + h]],
                    buf.at[ib, pl.ds(h * HALF, HALF)],
                    sem,
                )
        pltpu.make_async_copy(out_hbm.at[pl.ds(0, NB)], buf, sem).wait()
        pltpu.sync_copy(buf, out_hbm.at[pl.ds(bbase + g * NB, NB)])
        return carry

    lax.fori_loop(0, GROUPS, body, 0)


def kernel(x, weight):
    idx = x.reshape(2 * BATCH, HALF).astype(jnp.int32)
    return _embed_gather(idx, weight)

# --- scband reference (transcript-rebuilt; emitter-appended) ---
"""Pipeline reference for scband-embedding-49117245997366 (READ-ONLY COPY).

The authoritative reference and input builder live on the scoring server;
editing this copy changes nothing except your own understanding.
"""

import jax, jax.numpy as jnp
import numpy as np

VOCAB_SIZE = 1000000
EMBED_DIM = 32
BATCH = 4096
POS = 200

def setup_inputs(seed: int = 0) -> dict:
    key = jax.random.key(seed)
    k_x, k_w = jax.random.split(key)
    x = jax.random.randint(k_x, (BATCH, POS), 0, VOCAB_SIZE, dtype=jnp.int64 if jax.config.jax_enable_x64 else jnp.int32)
    weight = jax.random.normal(k_w, (VOCAB_SIZE, EMBED_DIM), dtype=jnp.float32) / (EMBED_DIM ** 0.5)
    return {"x": x, "weight": weight}

def reference(x, weight):
    # Faithful translation of Embedding.forward: self.weight[x]
    return jnp.take(weight, x, axis=0)

if __name__ == "__main__":
    import jax
    _d = setup_inputs()
    print(jax.jit(kernel)(*tuple(_d.values())))

</pallas_src>

<mosaic_0001>
#map = affine_map<(d0, d1) -> (0, 0)>
#map1 = affine_map<(d0, d1) -> (0, 0, 0)>
module attributes {stable_mosaic.version = 14 : i64} {
  func.func @_embed_gather(%arg0: i32, %arg1: i32, %arg2: memref<8192x100xi32, #tpu.memory_space<hbm>>, %arg3: memref<1000000x32xf32, #tpu.memory_space<hbm>>, %arg4: memref<4096x200x32xf32, #tpu.memory_space<hbm>>, %arg5: memref<256x100xi32, #tpu.memory_space<vmem>>, %arg6: memref<8x200x32xf32, #tpu.memory_space<vmem>>, %arg7: memref<!tpu.dma_semaphore, #tpu.memory_space<semaphore_mem>>) attributes {dimension_semantics = [#tpu.dimension_semantics<core_parallel>, #tpu.dimension_semantics<subcore_parallel>], iteration_bounds = array<i64: 2, 16>, scalar_prefetch = 0 : i64, scratch_operands = 3 : i64, tpu.core_type = #tpu.core_type<sc_vector_subcore>, window_params = [{transform_indices = #map}, {transform_indices = #map}, {transform_indices = #map1}]} {
    %mul3A = arith.constant 2 : i32
    %mul3A_0 = arith.muli %arg1, %mul3A : i32
    %add3A = arith.addi %mul3A_0, %arg0 : i32
    %mul3A_1 = arith.constant 128 : i32
    %mul3A_2 = arith.muli %add3A, %mul3A_1 : i32
    %mul3A_3 = arith.constant 2 : i32
    %mul3A_4 = arith.muli %mul3A_3, %mul3A_2 : i32
    "tpu.region"() ({
      %run_scoped3A = tpu.sem_alloc : memref<!tpu.dma_semaphore, #tpu.memory_space<semaphore_mem>>
      %dma_start3A = arith.constant 0 : i32
      %dma_start3A_10 = tpu.memref_slice %arg2[%mul3A_4, %dma_start3A] : memref<8192x100xi32, #tpu.memory_space<hbm>> -> memref<256x100xi32, #tpu.memory_space<hbm>>
      %dma_start3A_11 = arith.constant 0 : i32
      %dma_start3A_12 = tpu.memref_slice %arg2[%mul3A_4, %dma_start3A_11] : memref<8192x100xi32, #tpu.memory_space<hbm>> -> memref<256x100xi32, #tpu.memory_space<hbm>>
      tpu.enqueue_dma source(%dma_start3A_12 : memref<256x100xi32, #tpu.memory_space<hbm>>) target(%arg5 : memref<256x100xi32, #tpu.memory_space<vmem>>) target_semaphore(%run_scoped3A : memref<!tpu.dma_semaphore, #tpu.memory_space<semaphore_mem>>)
      %dma_wait3A = arith.constant 0 : i32
      %dma_wait3A_13 = tpu.memref_slice %arg2[%mul3A_4, %dma_wait3A] : memref<8192x100xi32, #tpu.memory_space<hbm>> -> memref<256x100xi32, #tpu.memory_space<hbm>>
      %dma_wait3A_14 = arith.constant 0 : i32
      %dma_wait3A_15 = tpu.memref_slice %arg2[%mul3A_4, %dma_wait3A_14] : memref<8192x100xi32, #tpu.memory_space<hbm>> -> memref<256x100xi32, #tpu.memory_space<hbm>>
      tpu.wait_dma2 semaphore(%run_scoped3A : memref<!tpu.dma_semaphore, #tpu.memory_space<semaphore_mem>>) src(%dma_wait3A_15 : memref<256x100xi32, #tpu.memory_space<hbm>>) dst(%arg5 : memref<256x100xi32, #tpu.memory_space<vmem>>)
      tpu.yield
    }) : () -> ()
    %scan3A = arith.constant 0 : i32
    %scan3A_5 = arith.constant 0 : i32
    %scan3A_6 = arith.constant 16 : i32
    %scan3A_7 = arith.addi %scan3A_5, %scan3A_6 : i32
    %scan3A_8 = arith.constant 1 : i32
    scf.for %scan3A_10 = %scan3A_5 to %scan3A_7 step %scan3A_8  : i32 {
      %mul3A_11 = arith.constant 8 : i32
      %mul3A_12 = arith.muli %scan3A_10, %mul3A_11 : i32
      %add3A_13 = arith.constant 0 : i32
      %add3A_14 = arith.addi %mul3A_12, %add3A_13 : i32
      %mul3A_15 = arith.constant 2 : i32
      %mul3A_16 = arith.muli %mul3A_15, %add3A_14 : i32
      %add3A_17 = arith.constant 0 : i32
      %add3A_18 = arith.addi %mul3A_16, %add3A_17 : i32
      %dma_start3A = arith.constant 0 : i32
      %dma_start3A_19 = arith.constant 0 : i32
      %dma_start3A_20 = arith.constant 0 : i32
      %dma_start3A_21 = tpu.memref_slice %arg6[%dma_start3A, %dma_start3A_19, %dma_start3A_20] : memref<8x200x32xf32, #tpu.memory_space<vmem>> -> memref<1x100x32xf32, #tpu.memory_space<vmem>>
      %dma_start3A_22 = tpu.memref_squeeze %dma_start3A_21 : memref<1x100x32xf32, #tpu.memory_space<vmem>> -> memref<100x32xf32, #tpu.memory_space<vmem>>
      %dma_start3A_23 = arith.constant 0 : i32
      %dma_start3A_24 = tpu.memref_slice %arg5[%add3A_18, %dma_start3A_23] : memref<256x100xi32, #tpu.memory_space<vmem>> -> memref<1x100xi32, #tpu.memory_space<vmem>>
      %dma_start3A_25 = tpu.memref_squeeze %dma_start3A_24 : memref<1x100xi32, #tpu.memory_space<vmem>> -> memref<100xi32, #tpu.memory_space<vmem>>
      %dma_start3A_26 = arith.constant 0 : i32
      %dma_start3A_27 = arith.constant 0 : i32
      %dma_start3A_28 = tpu.memref_slice %arg3[%dma_start3A_26, %dma_start3A_27] : memref<1000000x32xf32, #tpu.memory_space<hbm>> -> memref<1000000x32xf32, #tpu.memory_space<hbm>>
      tpu.enqueue_indirect_dma source(%dma_start3A_28 : memref<1000000x32xf32, #tpu.memory_space<hbm>>) target(%dma_start3A_22 : memref<100x32xf32, #tpu.memory_space<vmem>>) offsets(%dma_start3A_25 : memref<100xi32, #tpu.memory_space<vmem>>) semaphore(%arg7 : memref<!tpu.dma_semaphore, #tpu.memory_space<semaphore_mem>>)
      %mul3A_29 = arith.constant 8 : i32
      %mul3A_30 = arith.muli %scan3A_10, %mul3A_29 : i32
      %add3A_31 = arith.constant 0 : i32
      %add3A_32 = arith.addi %mul3A_30, %add3A_31 : i32
      %mul3A_33 = arith.constant 2 : i32
      %mul3A_34 = arith.muli %mul3A_33, %add3A_32 : i32
      %add3A_35 = arith.constant 1 : i32
      %add3A_36 = arith.addi %mul3A_34, %add3A_35 : i32
      %dma_start3A_37 = arith.constant 0 : i32
      %dma_start3A_38 = arith.constant 100 : i32
      %dma_start3A_39 = arith.constant 0 : i32
      %dma_start3A_40 = tpu.memref_slice %arg6[%dma_start3A_37, %dma_start3A_38, %dma_start3A_39] : memref<8x200x32xf32, #tpu.memory_space<vmem>> -> memref<1x100x32xf32, #tpu.memory_space<vmem>>
      %dma_start3A_41 = tpu.memref_squeeze %dma_start3A_40 : memref<1x100x32xf32, #tpu.memory_space<vmem>> -> memref<100x32xf32, #tpu.memory_space<vmem>>
      %dma_start3A_42 = arith.constant 0 : i32
      %dma_start3A_43 = tpu.memref_slice %arg5[%add3A_36, %dma_start3A_42] : memref<256x100xi32, #tpu.memory_space<vmem>> -> memref<1x100xi32, #tpu.memory_space<vmem>>
      %dma_start3A_44 = tpu.memref_squeeze %dma_start3A_43 : memref<1x100xi32, #tpu.memory_space<vmem>> -> memref<100xi32, #tpu.memory_space<vmem>>
      %dma_start3A_45 = arith.constant 0 : i32
      %dma_start3A_46 = arith.constant 0 : i32
      %dma_start3A_47 = tpu.memref_slice %arg3[%dma_start3A_45, %dma_start3A_46] : memref<1000000x32xf32, #tpu.memory_space<hbm>> -> memref<1000000x32xf32, #tpu.memory_space<hbm>>
      tpu.enqueue_indirect_dma source(%dma_start3A_47 : memref<1000000x32xf32, #tpu.memory_space<hbm>>) target(%dma_start3A_41 : memref<100x32xf32, #tpu.memory_space<vmem>>) offsets(%dma_start3A_44 : memref<100xi32, #tpu.memory_space<vmem>>) semaphore(%arg7 : memref<!tpu.dma_semaphore, #tpu.memory_space<semaphore_mem>>)
      %mul3A_48 = arith.constant 8 : i32
      %mul3A_49 = arith.muli %scan3A_10, %mul3A_48 : i32
      %add3A_50 = arith.constant 1 : i32
      %add3A_51 = arith.addi %mul3A_49, %add3A_50 : i32
      %mul3A_52 = arith.constant 2 : i32
      %mul3A_53 = arith.muli %mul3A_52, %add3A_51 : i32
      %add3A_54 = arith.constant 0 : i32
      %add3A_55 = arith.addi %mul3A_53, %add3A_54 : i32
      %dma_start3A_56 = arith.constant 1 : i32
      %dma_start3A_57 = arith.constant 0 : i32
      %dma_start3A_58 = arith.constant 0 : i32
      %dma_start3A_59 = tpu.memref_slice %arg6[%dma_start3A_56, %dma_start3A_57, %dma_start3A_58] : memref<8x200x32xf32, #tpu.memory_space<vmem>> -> memref<1x100x32xf32, #tpu.memory_space<vmem>>
      %dma_start3A_60 = tpu.memref_squeeze %dma_start3A_59 : memref<1x100x32xf32, #tpu.memory_space<vmem>> -> memref<100x32xf32, #tpu.memory_space<vmem>>
      %dma_start3A_61 = arith.constant 0 : i32
      %dma_start3A_62 = tpu.memref_slice %arg5[%add3A_55, %dma_start3A_61] : memref<256x100xi32, #tpu.memory_space<vmem>> -> memref<1x100xi32, #tpu.memory_space<vmem>>
      %dma_start3A_63 = tpu.memref_squeeze %dma_start3A_62 : memref<1x100xi32, #tpu.memory_space<vmem>> -> memref<100xi32, #tpu.memory_space<vmem>>
      %dma_start3A_64 = arith.constant 0 : i32
      %dma_start3A_65 = arith.constant 0 : i32
      %dma_start3A_66 = tpu.memref_slice %arg3[%dma_start3A_64, %dma_start3A_65] : memref<1000000x32xf32, #tpu.memory_space<hbm>> -> memref<1000000x32xf32, #tpu.memory_space<hbm>>
      tpu.enqueue_indirect_dma source(%dma_start3A_66 : memref<1000000x32xf32, #tpu.memory_space<hbm>>) target(%dma_start3A_60 : memref<100x32xf32, #tpu.memory_space<vmem>>) offsets(%dma_start3A_63 : memref<100xi32, #tpu.memory_space<vmem>>) semaphore(%arg7 : memref<!tpu.dma_semaphore, #tpu.memory_space<semaphore_mem>>)
      %mul3A_67 = arith.constant 8 : i32
      %mul3A_68 = arith.muli %scan3A_10, %mul3A_67 : i32
      %add3A_69 = arith.constant 1 : i32
      %add3A_70 = arith.addi %mul3A_68, %add3A_69 : i32
      %mul3A_71 = arith.constant 2 : i32
      %mul3A_72 = arith.muli %mul3A_71, %add3A_70 : i32
      %add3A_73 = arith.constant 1 : i32
      %add3A_74 = arith.addi %mul3A_72, %add3A_73 : i32
      %dma_start3A_75 = arith.constant 1 : i32
      %dma_start3A_76 = arith.constant 100 : i32
      %dma_start3A_77 = arith.constant 0 : i32
      %dma_start3A_78 = tpu.memref_slice %arg6[%dma_start3A_75, %dma_start3A_76, %dma_start3A_77] : memref<8x200x32xf32, #tpu.memory_space<vmem>> -> memref<1x100x32xf32, #tpu.memory_space<vmem>>
      %dma_start3A_79 = tpu.memref_squeeze %dma_start3A_78 : memref<1x100x32xf32, #tpu.memory_space<vmem>> -> memref<100x32xf32, #tpu.memory_space<vmem>>
      %dma_start3A_80 = arith.constant 0 : i32
      %dma_start3A_81 = tpu.memref_slice %arg5[%add3A_74, %dma_start3A_80] : memref<256x100xi32, #tpu.memory_space<vmem>> -> memref<1x100xi32, #tpu.memory_space<vmem>>
      %dma_start3A_82 = tpu.memref_squeeze %dma_start3A_81 : memref<1x100xi32, #tpu.memory_space<vmem>> -> memref<100xi32, #tpu.memory_space<vmem>>
      %dma_start3A_83 = arith.constant 0 : i32
      %dma_start3A_84 = arith.constant 0 : i32
      %dma_start3A_85 = tpu.memref_slice %arg3[%dma_start3A_83, %dma_start3A_84] : memref<1000000x32xf32, #tpu.memory_space<hbm>> -> memref<1000000x32xf32, #tpu.memory_space<hbm>>
      tpu.enqueue_indirect_dma source(%dma_start3A_85 : memref<1000000x32xf32, #tpu.memory_space<hbm>>) target(%dma_start3A_79 : memref<100x32xf32, #tpu.memory_space<vmem>>) offsets(%dma_start3A_82 : memref<100xi32, #tpu.memory_space<vmem>>) semaphore(%arg7 : memref<!tpu.dma_semaphore, #tpu.memory_space<semaphore_mem>>)
      %mul3A_86 = arith.constant 8 : i32
      %mul3A_87 = arith.muli %scan3A_10, %mul3A_86 : i32
      %add3A_88 = arith.constant 2 : i32
      %add3A_89 = arith.addi %mul3A_87, %add3A_88 : i32
      %mul3A_90 = arith.constant 2 : i32
      %mul3A_91 = arith.muli %mul3A_90, %add3A_89 : i32
      %add3A_92 = arith.constant 0 : i32
      %add3A_93 = arith.addi %mul3A_91, %add3A_92 : i32
      %dma_start3A_94 = arith.constant 2 : i32
      %dma_start3A_95 = arith.constant 0 : i32
      %dma_start3A_96 = arith.constant 0 : i32
      %dma_start3A_97 = tpu.memref_slice %arg6[%dma_start3A_94, %dma_start3A_95, %dma_start3A_96] : memref<8x200x32xf32, #tpu.memory_space<vmem>> -> memref<1x100x32xf32, #tpu.memory_space<vmem>>
      %dma_start3A_98 = tpu.memref_squeeze %dma_start3A_97 : memref<1x100x32xf32, #tpu.memory_space<vmem>> -> memref<100x32xf32, #tpu.memory_space<vmem>>
      %dma_start3A_99 = arith.constant 0 : i32
      %dma_start3A_100 = tpu.memref_slice %arg5[%add3A_93, %dma_start3A_99] : memref<256x100xi32, #tpu.memory_space<vmem>> -> memref<1x100xi32, #tpu.memory_space<vmem>>
      %dma_start3A_101 = tpu.memref_squeeze %dma_start3A_100 : memref<1x100xi32, #tpu.memory_space<vmem>> -> memref<100xi32, #tpu.memory_space<vmem>>
      %dma_start3A_102 = arith.constant 0 : i32
      %dma_start3A_103 = arith.constant 0 : i32
      %dma_start3A_104 = tpu.memref_slice %arg3[%dma_start3A_102, %dma_start3A_103] : memref<1000000x32xf32, #tpu.memory_space<hbm>> -> memref<1000000x32xf32, #tpu.memory_space<hbm>>
      tpu.enqueue_indirect_dma source(%dma_start3A_104 : memref<1000000x32xf32, #tpu.memory_space<hbm>>) target(%dma_start3A_98 : memref<100x32xf32, #tpu.memory_space<vmem>>) offsets(%dma_start3A_101 : memref<100xi32, #tpu.memory_space<vmem>>) semaphore(%arg7 : memref<!tpu.dma_semaphore, #tpu.memory_space<semaphore_mem>>)
      %mul3A_105 = arith.constant 8 : i32
      %mul3A_106 = arith.muli %scan3A_10, %mul3A_105 : i32
      %add3A_107 = arith.constant 2 : i32
      %add3A_108 = arith.addi %mul3A_106, %add3A_107 : i32
      %mul3A_109 = arith.constant 2 : i32
      %mul3A_110 = arith.muli %mul3A_109, %add3A_108 : i32
      %add3A_111 = arith.constant 1 : i32
      %add3A_112 = arith.addi %mul3A_110, %add3A_111 : i32
      %dma_start3A_113 = arith.constant 2 : i32
      %dma_start3A_114 = arith.constant 100 : i32
      %dma_start3A_115 = arith.constant 0 : i32
      %dma_start3A_116 = tpu.memref_slice %arg6[%dma_start3A_113, %dma_start3A_114, %dma_start3A_115] : memref<8x200x32xf32, #tpu.memory_space<vmem>> -> memref<1x100x32xf32, #tpu.memory_space<vmem>>
      %dma_start3A_117 = tpu.memref_squeeze %dma_start3A_116 : memref<1x100x32xf32, #tpu.memory_space<vmem>> -> memref<100x32xf32, #tpu.memory_space<vmem>>
      %dma_start3A_118 = arith.constant 0 : i32
      %dma_start3A_119 = tpu.memref_slice %arg5[%add3A_112, %dma_start3A_118] : memref<256x100xi32, #tpu.memory_space<vmem>> -> memref<1x100xi32, #tpu.memory_space<vmem>>
      %dma_start3A_120 = tpu.memref_squeeze %dma_start3A_119 : memref<1x100xi32, #tpu.memory_space<vmem>> -> memref<100xi32, #tpu.memory_space<vmem>>
      %dma_start3A_121 = arith.constant 0 : i32
      %dma_start3A_122 = arith.constant 0 : i32
      %dma_start3A_123 = tpu.memref_slice %arg3[%dma_start3A_121, %dma_start3A_122] : memref<1000000x32xf32, #tpu.memory_space<hbm>> -> memref<1000000x32xf32, #tpu.memory_space<hbm>>
      tpu.enqueue_indirect_dma source(%dma_start3A_123 : memref<1000000x32xf32, #tpu.memory_space<hbm>>) target(%dma_start3A_117 : memref<100x32xf32, #tpu.memory_space<vmem>>) offsets(%dma_start3A_120 : memref<100xi32, #tpu.memory_space<vmem>>) semaphore(%arg7 : memref<!tpu.dma_semaphore, #tpu.memory_space<semaphore_mem>>)
      %mul3A_124 = arith.constant 8 : i32
      %mul3A_125 = arith.muli %scan3A_10, %mul3A_124 : i32
      %add3A_126 = arith.constant 3 : i32
      %add3A_127 = arith.addi %mul3A_125, %add3A_126 : i32
      %mul3A_128 = arith.constant 2 : i32
      %mul3A_129 = arith.muli %mul3A_128, %add3A_127 : i32
      %add3A_130 = arith.constant 0 : i32
      %add3A_131 = arith.addi %mul3A_129, %add3A_130 : i32
      %dma_start3A_132 = arith.constant 3 : i32
      %dma_start3A_133 = arith.constant 0 : i32
      %dma_start3A_134 = arith.constant 0 : i32
      %dma_start3A_135 = tpu.memref_slice %arg6[%dma_start3A_132, %dma_start3A_133, %dma_start3A_134] : memref<8x200x32xf32, #tpu.memory_space<vmem>> -> memref<1x100x32xf32, #tpu.memory_space<vmem>>
      %dma_start3A_136 = tpu.memref_squeeze %dma_start3A_135 : memref<1x100x32xf32, #tpu.memory_space<vmem>> -> memref<100x32xf32, #tpu.memory_space<vmem>>
      %dma_start3A_137 = arith.constant 0 : i32
      %dma_start3A_138 = tpu.memref_slice %arg5[%add3A_131, %dma_start3A_137] : memref<256x100xi32, #tpu.memory_space<vmem>> -> memref<1x100xi32, #tpu.memory_space<vmem>>
      %dma_start3A_139 = tpu.memref_squeeze %dma_start3A_138 : memref<1x100xi32, #tpu.memory_space<vmem>> -> memref<100xi32, #tpu.memory_space<vmem>>
      %dma_start3A_140 = arith.constant 0 : i32
      %dma_start3A_141 = arith.constant 0 : i32
      %dma_start3A_142 = tpu.memref_slice %arg3[%dma_start3A_140, %dma_start3A_141] : memref<1000000x32xf32, #tpu.memory_space<hbm>> -> memref<1000000x32xf32, #tpu.memory_space<hbm>>
      tpu.enqueue_indirect_dma source(%dma_start3A_142 : memref<1000000x32xf32, #tpu.memory_space<hbm>>) target(%dma_start3A_136 : memref<100x32xf32, #tpu.memory_space<vmem>>) offsets(%dma_start3A_139 : memref<100xi32, #tpu.memory_space<vmem>>) semaphore(%arg7 : memref<!tpu.dma_semaphore, #tpu.memory_space<semaphore_mem>>)
      %mul3A_143 = arith.constant 8 : i32
      %mul3A_144 = arith.muli %scan3A_10, %mul3A_143 : i32
      %add3A_145 = arith.constant 3 : i32
      %add3A_146 = arith.addi %mul3A_144, %add3A_145 : i32
      %mul3A_147 = arith.constant 2 : i32
      %mul3A_148 = arith.muli %mul3A_147, %add3A_146 : i32
      %add3A_149 = arith.constant 1 : i32
      %add3A_150 = arith.addi %mul3A_148, %add3A_149 : i32
      %dma_start3A_151 = arith.constant 3 : i32
      %dma_start3A_152 = arith.constant 100 : i32
      %dma_start3A_153 = arith.constant 0 : i32
      %dma_start3A_154 = tpu.memref_slice %arg6[%dma_start3A_151, %dma_start3A_152, %dma_start3A_153] : memref<8x200x32xf32, #tpu.memory_space<vmem>> -> memref<1x100x32xf32, #tpu.memory_space<vmem>>
      %dma_start3A_155 = tpu.memref_squeeze %dma_start3A_154 : memref<1x100x32xf32, #tpu.memory_space<vmem>> -> memref<100x32xf32, #tpu.memory_space<vmem>>
      %dma_start3A_156 = arith.constant 0 : i32
      %dma_start3A_157 = tpu.memref_slice %arg5[%add3A_150, %dma_start3A_156] : memref<256x100xi32, #tpu.memory_space<vmem>> -> memref<1x100xi32, #tpu.memory_space<vmem>>
      %dma_start3A_158 = tpu.memref_squeeze %dma_start3A_157 : memref<1x100xi32, #tpu.memory_space<vmem>> -> memref<100xi32, #tpu.memory_space<vmem>>
      %dma_start3A_159 = arith.constant 0 : i32
      %dma_start3A_160 = arith.constant 0 : i32
      %dma_start3A_161 = tpu.memref_slice %arg3[%dma_start3A_159, %dma_start3A_160] : memref<1000000x32xf32, #tpu.memory_space<hbm>> -> memref<1000000x32xf32, #tpu.memory_space<hbm>>
      tpu.enqueue_indirect_dma source(%dma_start3A_161 : memref<1000000x32xf32, #tpu.memory_space<hbm>>) target(%dma_start3A_155 : memref<100x32xf32, #tpu.memory_space<vmem>>) offsets(%dma_start3A_158 : memref<100xi32, #tpu.memory_space<vmem>>) semaphore(%arg7 : memref<!tpu.dma_semaphore, #tpu.memory_space<semaphore_mem>>)
      %mul3A_162 = arith.constant 8 : i32
      %mul3A_163 = arith.muli %scan3A_10, %mul3A_162 : i32
      %add3A_164 = arith.constant 4 : i32
      %add3A_165 = arith.addi %mul3A_163, %add3A_164 : i32
      %mul3A_166 = arith.constant 2 : i32
      %mul3A_167 = arith.muli %mul3A_166, %add3A_165 : i32
      %add3A_168 = arith.constant 0 : i32
      %add3A_169 = arith.addi %mul3A_167, %add3A_168 : i32
      %dma_start3A_170 = arith.constant 4 : i32
      %dma_start3A_171 = arith.constant 0 : i32
      %dma_start3A_172 = arith.constant 0 : i32
      %dma_start3A_173 = tpu.memref_slice %arg6[%dma_start3A_170, %dma_start3A_171, %dma_start3A_172] : memref<8x200x32xf32, #tpu.memory_space<vmem>> -> memref<1x100x32xf32, #tpu.memory_space<vmem>>
      %dma_start3A_174 = tpu.memref_squeeze %dma_start3A_173 : memref<1x100x32xf32, #tpu.memory_space<vmem>> -> memref<100x32xf32, #tpu.memory_space<vmem>>
      %dma_start3A_175 = arith.constant 0 : i32
      %dma_start3A_176 = tpu.memref_slice %arg5[%add3A_169, %dma_start3A_175] : memref<256x100xi32, #tpu.memory_space<vmem>> -> memref<1x100xi32, #tpu.memory_space<vmem>>
      %dma_start3A_177 = tpu.memref_squeeze %dma_start3A_176 : memref<1x100xi32, #tpu.memory_space<vmem>> -> memref<100xi32, #tpu.memory_space<vmem>>
      %dma_start3A_178 = arith.constant 0 : i32
      %dma_start3A_179 = arith.constant 0 : i32
      %dma_start3A_180 = tpu.memref_slice %arg3[%dma_start3A_178, %dma_start3A_179] : memref<1000000x32xf32, #tpu.memory_space<hbm>> -> memref<1000000x32xf32, #tpu.memory_space<hbm>>
      tpu.enqueue_indirect_dma source(%dma_start3A_180 : memref<1000000x32xf32, #tpu.memory_space<hbm>>) target(%dma_start3A_174 : memref<100x32xf32, #tpu.memory_space<vmem>>) offsets(%dma_start3A_177 : memref<100xi32, #tpu.memory_space<vmem>>) semaphore(%arg7 : memref<!tpu.dma_semaphore, #tpu.memory_space<semaphore_mem>>)
      %mul3A_181 = arith.constant 8 : i32
      %mul3A_182 = arith.muli %scan3A_10, %mul3A_181 : i32
      %add3A_183 = arith.constant 4 : i32
      %add3A_184 = arith.addi %mul3A_182, %add3A_183 : i32
      %mul3A_185 = arith.constant 2 : i32
      %mul3A_186 = arith.muli %mul3A_185, %add3A_184 : i32
      %add3A_187 = arith.constant 1 : i32
      %add3A_188 = arith.addi %mul3A_186, %add3A_187 : i32
      %dma_start3A_189 = arith.constant 4 : i32
      %dma_start3A_190 = arith.constant 100 : i32
      %dma_start3A_191 = arith.constant 0 : i32
      %dma_start3A_192 = tpu.memref_slice %arg6[%dma_start3A_189, %dma_start3A_190, %dma_start3A_191] : memref<8x200x32xf32, #tpu.memory_space<vmem>> -> memref<1x100x32xf32, #tpu.memory_space<vmem>>
      %dma_start3A_193 = tpu.memref_squeeze %dma_start3A_192 : memref<1x100x32xf32, #tpu.memory_space<vmem>> -> memref<100x32xf32, #tpu.memory_space<vmem>>
      %dma_start3A_194 = arith.constant 0 : i32
      %dma_start3A_195 = tpu.memref_slice %arg5[%add3A_188, %dma_start3A_194] : memref<256x100xi32, #tpu.memory_space<vmem>> -> memref<1x100xi32, #tpu.memory_space<vmem>>
      %dma_start3A_196 = tpu.memref_squeeze %dma_start3A_195 : memref<1x100xi32, #tpu.memory_space<vmem>> -> memref<100xi32, #tpu.memory_space<vmem>>
      %dma_start3A_197 = arith.constant 0 : i32
      %dma_start3A_198 = arith.constant 0 : i32
      %dma_start3A_199 = tpu.memref_slice %arg3[%dma_start3A_197, %dma_start3A_198] : memref<1000000x32xf32, #tpu.memory_space<hbm>> -> memref<1000000x32xf32, #tpu.memory_space<hbm>>
      tpu.enqueue_indirect_dma source(%dma_start3A_199 : memref<1000000x32xf32, #tpu.memory_space<hbm>>) target(%dma_start3A_193 : memref<100x32xf32, #tpu.memory_space<vmem>>) offsets(%dma_start3A_196 : memref<100xi32, #tpu.memory_space<vmem>>) semaphore(%arg7 : memref<!tpu.dma_semaphore, #tpu.memory_space<semaphore_mem>>)
      %mul3A_200 = arith.constant 8 : i32
      %mul3A_201 = arith.muli %scan3A_10, %mul3A_200 : i32
      %add3A_202 = arith.constant 5 : i32
      %add3A_203 = arith.addi %mul3A_201, %add3A_202 : i32
      %mul3A_204 = arith.constant 2 : i32
      %mul3A_205 = arith.muli %mul3A_204, %add3A_203 : i32
      %add3A_206 = arith.constant 0 : i32
      %add3A_207 = arith.addi %mul3A_205, %add3A_206 : i32
      %dma_start3A_208 = arith.constant 5 : i32
      %dma_start3A_209 = arith.constant 0 : i32
      %dma_start3A_210 = arith.constant 0 : i32
      %dma_start3A_211 = tpu.memref_slice %arg6[%dma_start3A_208, %dma_start3A_209, %dma_start3A_210] : memref<8x200x32xf32, #tpu.memory_space<vmem>> -> memref<1x100x32xf32, #tpu.memory_space<vmem>>
      %dma_start3A_212 = tpu.memref_squeeze %dma_start3A_211 : memref<1x100x32xf32, #tpu.memory_space<vmem>> -> memref<100x32xf32, #tpu.memory_space<vmem>>
      %dma_start3A_213 = arith.constant 0 : i32
      %dma_start3A_214 = tpu.memref_slice %arg5[%add3A_207, %dma_start3A_213] : memref<256x100xi32, #tpu.memory_space<vmem>> -> memref<1x100xi32, #tpu.memory_space<vmem>>
      %dma_start3A_215 = tpu.memref_squeeze %dma_start3A_214 : memref<1x100xi32, #tpu.memory_space<vmem>> -> memref<100xi32, #tpu.memory_space<vmem>>
      %dma_start3A_216 = arith.constant 0 : i32
      %dma_start3A_217 = arith.constant 0 : i32
      %dma_start3A_218 = tpu.memref_slice %arg3[%dma_start3A_216, %dma_start3A_217] : memref<1000000x32xf32, #tpu.memory_space<hbm>> -> memref<1000000x32xf32, #tpu.memory_space<hbm>>
      tpu.enqueue_indirect_dma source(%dma_start3A_218 : memref<1000000x32xf32, #tpu.memory_space<hbm>>) target(%dma_start3A_212 : memref<100x32xf32, #tpu.memory_space<vmem>>) offsets(%dma_start3A_215 : memref<100xi32, #tpu.memory_space<vmem>>) semaphore(%arg7 : memref<!tpu.dma_semaphore, #tpu.memory_space<semaphore_mem>>)
      %mul3A_219 = arith.constant 8 : i32
      %mul3A_220 = arith.muli %scan3A_10, %mul3A_219 : i32
      %add3A_221 = arith.constant 5 : i32
      %add3A_222 = arith.addi %mul3A_220, %add3A_221 : i32
      %mul3A_223 = arith.constant 2 : i32
      %mul3A_224 = arith.muli %mul3A_223, %add3A_222 : i32
      %add3A_225 = arith.constant 1 : i32
      %add3A_226 = arith.addi %mul3A_224, %add3A_225 : i32
      %dma_start3A_227 = arith.constant 5 : i32
      %dma_start3A_228 = arith.constant 100 : i32
      %dma_start3A_229 = arith.constant 0 : i32
      %dma_start3A_230 = tpu.memref_slice %arg6[%dma_start3A_227, %dma_start3A_228, %dma_start3A_229] : memref<8x200x32xf32, #tpu.memory_space<vmem>> -> memref<1x100x32xf32, #tpu.memory_space<vmem>>
      %dma_start3A_231 = tpu.memref_squeeze %dma_start3A_230 : memref<1x100x32xf32, #tpu.memory_space<vmem>> -> memref<100x32xf32, #tpu.memory_space<vmem>>
      %dma_start3A_232 = arith.constant 0 : i32
      %dma_start3A_233 = tpu.memref_slice %arg5[%add3A_226, %dma_start3A_232] : memref<256x100xi32, #tpu.memory_space<vmem>> -> memref<1x100xi32, #tpu.memory_space<vmem>>
      %dma_start3A_234 = tpu.memref_squeeze %dma_start3A_233 : memref<1x100xi32, #tpu.memory_space<vmem>> -> memref<100xi32, #tpu.memory_space<vmem>>
      %dma_start3A_235 = arith.constant 0 : i32
      %dma_start3A_236 = arith.constant 0 : i32
      %dma_start3A_237 = tpu.memref_slice %arg3[%dma_start3A_235, %dma_start3A_236] : memref<1000000x32xf32, #tpu.memory_space<hbm>> -> memref<1000000x32xf32, #tpu.memory_space<hbm>>
      tpu.enqueue_indirect_dma source(%dma_start3A_237 : memref<1000000x32xf32, #tpu.memory_space<hbm>>) target(%dma_start3A_231 : memref<100x32xf32, #tpu.memory_space<vmem>>) offsets(%dma_start3A_234 : memref<100xi32, #tpu.memory_space<vmem>>) semaphore(%arg7 : memref<!tpu.dma_semaphore, #tpu.memory_space<semaphore_mem>>)
      %mul3A_238 = arith.constant 8 : i32
      %mul3A_239 = arith.muli %scan3A_10, %mul3A_238 : i32
      %add3A_240 = arith.constant 6 : i32
      %add3A_241 = arith.addi %mul3A_239, %add3A_240 : i32
      %mul3A_242 = arith.constant 2 : i32
      %mul3A_243 = arith.muli %mul3A_242, %add3A_241 : i32
      %add3A_244 = arith.constant 0 : i32
      %add3A_245 = arith.addi %mul3A_243, %add3A_244 : i32
      %dma_start3A_246 = arith.constant 6 : i32
      %dma_start3A_247 = arith.constant 0 : i32
      %dma_start3A_248 = arith.constant 0 : i32
      %dma_start3A_249 = tpu.memref_slice %arg6[%dma_start3A_246, %dma_start3A_247, %dma_start3A_248] : memref<8x200x32xf32, #tpu.memory_space<vmem>> -> memref<1x100x32xf32, #tpu.memory_space<vmem>>
      %dma_start3A_250 = tpu.memref_squeeze %dma_start3A_249 : memref<1x100x32xf32, #tpu.memory_space<vmem>> -> memref<100x32xf32, #tpu.memory_space<vmem>>
      %dma_start3A_251 = arith.constant 0 : i32
      %dma_start3A_252 = tpu.memref_slice %arg5[%add3A_245, %dma_start3A_251] : memref<256x100xi32, #tpu.memory_space<vmem>> -> memref<1x100xi32, #tpu.memory_space<vmem>>
      %dma_start3A_253 = tpu.memref_squeeze %dma_start3A_252 : memref<1x100xi32, #tpu.memory_space<vmem>> -> memref<100xi32, #tpu.memory_space<vmem>>
      %dma_start3A_254 = arith.constant 0 : i32
      %dma_start3A_255 = arith.constant 0 : i32
      %dma_start3A_256 = tpu.memref_slice %arg3[%dma_start3A_254, %dma_start3A_255] : memref<1000000x32xf32, #tpu.memory_space<hbm>> -> memref<1000000x32xf32, #tpu.memory_space<hbm>>
      tpu.enqueue_indirect_dma source(%dma_start3A_256 : memref<1000000x32xf32, #tpu.memory_space<hbm>>) target(%dma_start3A_250 : memref<100x32xf32, #tpu.memory_space<vmem>>) offsets(%dma_start3A_253 : memref<100xi32, #tpu.memory_space<vmem>>) semaphore(%arg7 : memref<!tpu.dma_semaphore, #tpu.memory_space<semaphore_mem>>)
      %mul3A_257 = arith.constant 8 : i32
      %mul3A_258 = arith.muli %scan3A_10, %mul3A_257 : i32
      %add3A_259 = arith.constant 6 : i32
      %add3A_260 = arith.addi %mul3A_258, %add3A_259 : i32
      %mul3A_261 = arith.constant 2 : i32
      %mul3A_262 = arith.muli %mul3A_261, %add3A_260 : i32
      %add3A_263 = arith.constant 1 : i32
      %add3A_264 = arith.addi %mul3A_262, %add3A_263 : i32
      %dma_start3A_265 = arith.constant 6 : i32
      %dma_start3A_266 = arith.constant 100 : i32
      %dma_start3A_267 = arith.constant 0 : i32
      %dma_start3A_268 = tpu.memref_slice %arg6[%dma_start3A_265, %dma_start3A_266, %dma_start3A_267] : memref<8x200x32xf32, #tpu.memory_space<vmem>> -> memref<1x100x32xf32, #tpu.memory_space<vmem>>
      %dma_start3A_269 = tpu.memref_squeeze %dma_start3A_268 : memref<1x100x32xf32, #tpu.memory_space<vmem>> -> memref<100x32xf32, #tpu.memory_space<vmem>>
      %dma_start3A_270 = arith.constant 0 : i32
      %dma_start3A_271 = tpu.memref_slice %arg5[%add3A_264, %dma_start3A_270] : memref<256x100xi32, #tpu.memory_space<vmem>> -> memref<1x100xi32, #tpu.memory_space<vmem>>
      %dma_start3A_272 = tpu.memref_squeeze %dma_start3A_271 : memref<1x100xi32, #tpu.memory_space<vmem>> -> memref<100xi32, #tpu.memory_space<vmem>>
      %dma_start3A_273 = arith.constant 0 : i32
      %dma_start3A_274 = arith.constant 0 : i32
      %dma_start3A_275 = tpu.memref_slice %arg3[%dma_start3A_273, %dma_start3A_274] : memref<1000000x32xf32, #tpu.memory_space<hbm>> -> memref<1000000x32xf32, #tpu.memory_space<hbm>>
      tpu.enqueue_indirect_dma source(%dma_start3A_275 : memref<1000000x32xf32, #tpu.memory_space<hbm>>) target(%dma_start3A_269 : memref<100x32xf32, #tpu.memory_space<vmem>>) offsets(%dma_start3A_272 : memref<100xi32, #tpu.memory_space<vmem>>) semaphore(%arg7 : memref<!tpu.dma_semaphore, #tpu.memory_space<semaphore_mem>>)
      %mul3A_276 = arith.constant 8 : i32
      %mul3A_277 = arith.muli %scan3A_10, %mul3A_276 : i32
      %add3A_278 = arith.constant 7 : i32
      %add3A_279 = arith.addi %mul3A_277, %add3A_278 : i32
      %mul3A_280 = arith.constant 2 : i32
      %mul3A_281 = arith.muli %mul3A_280, %add3A_279 : i32
      %add3A_282 = arith.constant 0 : i32
      %add3A_283 = arith.addi %mul3A_281, %add3A_282 : i32
      %dma_start3A_284 = arith.constant 7 : i32
      %dma_start3A_285 = arith.constant 0 : i32
      %dma_start3A_286 = arith.constant 0 : i32
      %dma_start3A_287 = tpu.memref_slice %arg6[%dma_start3A_284, %dma_start3A_285, %dma_start3A_286] : memref<8x200x32xf32, #tpu.memory_space<vmem>> -> memref<1x100x32xf32, #tpu.memory_space<vmem>>
      %dma_start3A_288 = tpu.memref_squeeze %dma_start3A_287 : memref<1x100x32xf32, #tpu.memory_space<vmem>> -> memref<100x32xf32, #tpu.memory_space<vmem>>
      %dma_start3A_289 = arith.constant 0 : i32
      %dma_start3A_290 = tpu.memref_slice %arg5[%add3A_283, %dma_start3A_289] : memref<256x100xi32, #tpu.memory_space<vmem>> -> memref<1x100xi32, #tpu.memory_space<vmem>>
      %dma_start3A_291 = tpu.memref_squeeze %dma_start3A_290 : memref<1x100xi32, #tpu.memory_space<vmem>> -> memref<100xi32, #tpu.memory_space<vmem>>
      %dma_start3A_292 = arith.constant 0 : i32
      %dma_start3A_293 = arith.constant 0 : i32
      %dma_start3A_294 = tpu.memref_slice %arg3[%dma_start3A_292, %dma_start3A_293] : memref<1000000x32xf32, #tpu.memory_space<hbm>> -> memref<1000000x32xf32, #tpu.memory_space<hbm>>
      tpu.enqueue_indirect_dma source(%dma_start3A_294 : memref<1000000x32xf32, #tpu.memory_space<hbm>>) target(%dma_start3A_288 : memref<100x32xf32, #tpu.memory_space<vmem>>) offsets(%dma_start3A_291 : memref<100xi32, #tpu.memory_space<vmem>>) semaphore(%arg7 : memref<!tpu.dma_semaphore, #tpu.memory_space<semaphore_mem>>)
      %mul3A_295 = arith.constant 8 : i32
      %mul3A_296 = arith.muli %scan3A_10, %mul3A_295 : i32
      %add3A_297 = arith.constant 7 : i32
      %add3A_298 = arith.addi %mul3A_296, %add3A_297 : i32
      %mul3A_299 = arith.constant 2 : i32
      %mul3A_300 = arith.muli %mul3A_299, %add3A_298 : i32
      %add3A_301 = arith.constant 1 : i32
      %add3A_302 = arith.addi %mul3A_300, %add3A_301 : i32
      %dma_start3A_303 = arith.constant 7 : i32
      %dma_start3A_304 = arith.constant 100 : i32
      %dma_start3A_305 = arith.constant 0 : i32
      %dma_start3A_306 = tpu.memref_slice %arg6[%dma_start3A_303, %dma_start3A_304, %dma_start3A_305] : memref<8x200x32xf32, #tpu.memory_space<vmem>> -> memref<1x100x32xf32, #tpu.memory_space<vmem>>
      %dma_start3A_307 = tpu.memref_squeeze %dma_start3A_306 : memref<1x100x32xf32, #tpu.memory_space<vmem>> -> memref<100x32xf32, #tpu.memory_space<vmem>>
      %dma_start3A_308 = arith.constant 0 : i32
      %dma_start3A_309 = tpu.memref_slice %arg5[%add3A_302, %dma_start3A_308] : memref<256x100xi32, #tpu.memory_space<vmem>> -> memref<1x100xi32, #tpu.memory_space<vmem>>
      %dma_start3A_310 = tpu.memref_squeeze %dma_start3A_309 : memref<1x100xi32, #tpu.memory_space<vmem>> -> memref<100xi32, #tpu.memory_space<vmem>>
      %dma_start3A_311 = arith.constant 0 : i32
      %dma_start3A_312 = arith.constant 0 : i32
      %dma_start3A_313 = tpu.memref_slice %arg3[%dma_start3A_311, %dma_start3A_312] : memref<1000000x32xf32, #tpu.memory_space<hbm>> -> memref<1000000x32xf32, #tpu.memory_space<hbm>>
      tpu.enqueue_indirect_dma source(%dma_start3A_313 : memref<1000000x32xf32, #tpu.memory_space<hbm>>) target(%dma_start3A_307 : memref<100x32xf32, #tpu.memory_space<vmem>>) offsets(%dma_start3A_310 : memref<100xi32, #tpu.memory_space<vmem>>) semaphore(%arg7 : memref<!tpu.dma_semaphore, #tpu.memory_space<semaphore_mem>>)
      %dma_wait3A = arith.constant 0 : i32
      %dma_wait3A_314 = arith.constant 0 : i32
      %dma_wait3A_315 = arith.constant 0 : i32
      %dma_wait3A_316 = tpu.memref_slice %arg4[%dma_wait3A, %dma_wait3A_314, %dma_wait3A_315] : memref<4096x200x32xf32, #tpu.memory_space<hbm>> -> memref<8x200x32xf32, #tpu.memory_space<hbm>>
      %dma_wait3A_317 = arith.constant 0 : i32
      %dma_wait3A_318 = arith.constant 0 : i32
      %dma_wait3A_319 = arith.constant 0 : i32
      %dma_wait3A_320 = tpu.memref_slice %arg4[%dma_wait3A_317, %dma_wait3A_318, %dma_wait3A_319] : memref<4096x200x32xf32, #tpu.memory_space<hbm>> -> memref<8x200x32xf32, #tpu.memory_space<hbm>>
      tpu.wait_dma2 semaphore(%arg7 : memref<!tpu.dma_semaphore, #tpu.memory_space<semaphore_mem>>) src(%dma_wait3A_320 : memref<8x200x32xf32, #tpu.memory_space<hbm>>) dst(%arg6 : memref<8x200x32xf32, #tpu.memory_space<vmem>>)
      %mul3A_321 = arith.constant 8 : i32
      %mul3A_322 = arith.muli %scan3A_10, %mul3A_321 : i32
      %add3A_323 = arith.addi %mul3A_2, %mul3A_322 : i32
      "tpu.region"() ({
        %run_scoped3A = tpu.sem_alloc : memref<!tpu.dma_semaphore, #tpu.memory_space<semaphore_mem>>
        %dma_start3A_324 = arith.constant 0 : i32
        %dma_start3A_325 = arith.constant 0 : i32
        %dma_start3A_326 = tpu.memref_slice %arg4[%add3A_323, %dma_start3A_324, %dma_start3A_325] : memref<4096x200x32xf32, #tpu.memory_space<hbm>> -> memref<8x200x32xf32, #tpu.memory_space<hbm>>
        %dma_start3A_327 = arith.constant 0 : i32
        %dma_start3A_328 = arith.constant 0 : i32
        %dma_start3A_329 = tpu.memref_slice %arg4[%add3A_323, %dma_start3A_327, %dma_start3A_328] : memref<4096x200x32xf32, #tpu.memory_space<hbm>> -> memref<8x200x32xf32, #tpu.memory_space<hbm>>
        tpu.enqueue_dma source(%arg6 : memref<8x200x32xf32, #tpu.memory_space<vmem>>) target(%dma_start3A_329 : memref<8x200x32xf32, #tpu.memory_space<hbm>>) target_semaphore(%run_scoped3A : memref<!tpu.dma_semaphore, #tpu.memory_space<semaphore_mem>>)
        %dma_wait3A_330 = arith.constant 0 : i32
        %dma_wait3A_331 = arith.constant 0 : i32
        %dma_wait3A_332 = tpu.memref_slice %arg4[%add3A_323, %dma_wait3A_330, %dma_wait3A_331] : memref<4096x200x32xf32, #tpu.memory_space<hbm>> -> memref<8x200x32xf32, #tpu.memory_space<hbm>>
        %dma_wait3A_333 = arith.constant 0 : i32
        %dma_wait3A_334 = arith.constant 0 : i32
        %dma_wait3A_335 = tpu.memref_slice %arg4[%add3A_323, %dma_wait3A_333, %dma_wait3A_334] : memref<4096x200x32xf32, #tpu.memory_space<hbm>> -> memref<8x200x32xf32, #tpu.memory_space<hbm>>
        tpu.wait_dma2 semaphore(%run_scoped3A : memref<!tpu.dma_semaphore, #tpu.memory_space<semaphore_mem>>) src(%arg6 : memref<8x200x32xf32, #tpu.memory_space<vmem>>) dst(%dma_wait3A_335 : memref<8x200x32xf32, #tpu.memory_space<hbm>>)
        tpu.yield
      }) : () -> ()
    }
    %scan3A_9 = arith.constant 16 : i32
    return
  }
}

</mosaic_0001>

<sc_bundles>
// kernel: kernel.3.cloned.1.call-start
scs
__scs_entry_jumppad:
0x0: {  	(pc) =	sbr.rel $0x88, $3  }
0x1: {  	(tag) =	ssettag $0x0;
	lr =	simm.s32 $0x1  }
0x2: {  	[smem:$0x3F9F] =	sst lr;
	_ =	strace $0xD0000000  }
0x3: {  	_ = 	snop  }
0x4: {  	_ = 	snop  }
0x5: {  	_ = 	snop  }
0x6: {  	_ = 	snop  }
0x7: {  	_ = 	snop  }
__scs_overlays_trampoline_lowered:
0x8: {  	[smem:$0x3FAE] =	sst s0  }
0x9: {  	[smem:$0x3FAF] =	sst s1  }
0xa: {  	[smem:$0x3FB0] =	sst s2  }
0xb: {  	[smem:$0x3FB1] =	sst s3  }
0xc: {  	[smem:$0x3FB2] =	sst s4  }
0xd: {  	[smem:$0x3FB3] =	sst s5  }
0xe: {  	[smem:$0x3FB4] =	sst s6  }
0xf: {  	[smem:$0x3FB5] =	sst s7  }
0x10: {  	[smem:$0x3FB6] =	sst s8  }
0x11: {  	[smem:$0x3FB7] =	sst s9;
	s0 =	simm.s32 @!p0 $0x0  }
0x12: {  	s1 =	sld [smem:$0x3F9D];
	s0 =	simm.s32 @p0 $0x1  }
0x13: {  	[smem:$0x3FB8] =	sst s0;
	s0 =	simm.s32 @!p1 $0x0  }
0x14: {  	s2 =	sld [smem:$0x3F9C];
	s0 =	simm.s32 @p1 $0x1  }
0x15: {  	[smem:$0x3FB9] =	sst s0;
	s0 =	simm.s32 @!p2 $0x0  }
0x16: {  	s3 =	sld [smem:$0x3FDB];
	s0 =	simm.s32 @p2 $0x1  }
0x17: {  	s4 =	simm.s32 $0x1BF5;
	[smem:$0x3FBB] =	sst s0  }
0x18: {  	s0 =	sld [smem:$0x3F9E];
	_ =	swait.ge [sflag:s4], $0x0  }
0x19: {  	s7 =	sld [smem:$0x3F9F]  }
0x1a: {  	s8 =	sadd.s32 $0xFFFFE003, lr  }
0x1b: {  	s9 =	sadd.s32 $0xFFFFFEF7, lr;
	s5 =	simm.s32 $0xFFFFFFFF;
	p2 =	slt.u32 s8, $0xFFFFF086  }
0x1c: {  	p1 =	slt.u32 s9, $0xF7A;
	s5 =	simm.s32 @!p2 $0x0  }
0x1d: {  	s5 =	simm.s32 @p1 $0x1;
	p0 =	seq.s32 s7, s2  }
0x1e: {  	s7 =	smul.u32 @!p0 $0xF7A, s2;
	p2 =	seq.s32 @!p0 s5, $0x0  }
0x1f: {  	s9 =	smul.u32 $0xF7A, s1;
	s8 =	simm.s32 @!p0 $0x1BF5;
	p2 =	por !p2, p0  }
0x20: {  	[sflag:s8] =	ssyncset.s32 @!p0 $0xFFFFF086;
	s6 =	sadd.s32 @!p0 s3, s7;
	s7 =	simm.s32 @!p0 $0x108  }
0x21: {  	s3 =	sadd.s32 s3, s9;
	s6 =	sadd.s32 @!p0 $0x88, s6;
	s7 =	simm.s32 @p2 $0x1082  }
0x22: {  	[simem:s7], [sflag:s8] =	dma.local @!p0 [hbm:s6], $0xF7A  }
0x23: {  	s9 =	sor.u32 $0xD0000000, s2;
	s6 =	simm.s32 $0x108;
	_ =	swait.ge @!p0 [sflag:s8], $0x0  }
0x24: {  	s3 =	sadd.s32 $0x88, s3;
	s6 =	simm.s32 @!p1 $0x1082;
	[sflag:s4] =	ssyncset.s32 $0xFFFFF086  }
0x25: {  	[simem:s6], [sflag:s4] =	dma.local [hbm:s3], $0xF7A  }
0x26: {  	[smem:$0x3F9F] =	sst s1;
	(tag) =	ssettag s2;
	_ =	strace s9  }
0x27: {  	s1 =	sld [smem:$0x3FAF]  }
0x28: {  	s2 =	sld [smem:$0x3FB0]  }
0x29: {  	s4 =	sld [smem:$0x3FB2]  }
0x2a: {  	p0 =	seq.s32 s5, $0x0;
	s5 =	sld [smem:$0x3FB3]  }
0x2b: {  	s6 =	sld [smem:$0x3FB4]  }
0x2c: {  	s7 =	sld [smem:$0x3FB5]  }
0x2d: {  	s3 =	simm.s32 $0x108;
	s8 =	sld [smem:$0x3FB6]  }
0x2e: {  	s3 =	simm.s32 @!p0 $0x1082;
	s9 =	sld [smem:$0x3FB7]  }
0x2f: {  	lr =	sadd.s32 s0, s3;
	s0 =	sld [smem:$0x3FAE]  }
0x30: {  	s3 =	sld [smem:$0x3FB1]  }
0x31: {  	[smem:$0x3FBA] =	sst s10  }
0x32: {  	s10 =	sld [smem:$0x3FB8];
	_ =	sdelay $0x3  }
0x33: {  	p0 =	seq.s32 s10, $0x1;
	s10 =	sld [smem:$0x3FBA];
	_ =	sdelay $0x3  }
0x34: {  	[smem:$0x3FBA] =	sst s10  }
0x35: {  	s10 =	sld [smem:$0x3FB9];
	_ =	sdelay $0x3  }
0x36: {  	p1 =	seq.s32 s10, $0x1;
	s10 =	sld [smem:$0x3FBA];
	_ =	sdelay $0x3  }
0x37: {  	[smem:$0x3FBA] =	sst s10  }
0x38: {  	s10 =	sld [smem:$0x3FBB]  }
0x39: {  	_ = 	snop;
	(pc) =	sbr.ind lr, $3  }
0x3a: {  	_ = 	snop  }
0x3b: {  	_ = 	snop  }
0x3c: {  	p2 =	seq.s32 s10, $0x1;
	s10 =	sld [smem:$0x3FBA]  }
0x3d: {  	_ =	shalt  }
0x3e: {  	_ =	shalt  }
0x3f: {  	_ =	shalt  }
0x40: {  	_ =	shalt  }
0x41: {  	_ =	shalt  }
0x42: {  	_ =	shalt  }
0x43: {  	_ =	shalt  }
0x44: {  	_ =	shalt  }
0x45: {  	_ =	shalt  }
0x46: {  	_ =	shalt  }
0x47: {  	_ =	shalt  }
0x48: {  	_ =	shalt  }
0x49: {  	_ =	shalt  }
0x4a: {  	_ =	shalt  }
0x4b: {  	_ =	shalt  }
0x4c: {  	_ =	shalt  }
0x4d: {  	_ =	shalt  }
0x4e: {  	_ =	shalt  }
0x4f: {  	_ =	shalt  }
0x50: {  	_ =	shalt  }
0x51: {  	_ =	shalt  }
0x52: {  	_ =	shalt  }
0x53: {  	_ =	shalt  }
0x54: {  	_ =	shalt  }
0x55: {  	_ =	shalt  }
0x56: {  	_ =	shalt  }
0x57: {  	_ =	shalt  }
0x58: {  	_ =	shalt  }
0x59: {  	_ =	shalt  }
0x5a: {  	_ =	shalt  }
0x5b: {  	_ =	shalt  }
0x5c: {  	_ =	shalt  }
0x5d: {  	_ =	shalt  }
0x5e: {  	_ =	shalt  }
0x5f: {  	_ =	shalt  }
0x60: {  	_ =	shalt  }
0x61: {  	_ =	shalt  }
0x62: {  	_ =	shalt  }
0x63: {  	_ =	shalt  }
0x64: {  	_ =	shalt  }
0x65: {  	_ =	shalt  }
0x66: {  	_ =	shalt  }
0x67: {  	_ =	shalt  }
0x68: {  	_ =	shalt  }
0x69: {  	_ =	shalt  }
0x6a: {  	_ =	shalt  }
0x6b: {  	_ =	shalt  }
0x6c: {  	_ =	shalt  }
0x6d: {  	_ =	shalt  }
0x6e: {  	_ =	shalt  }
0x6f: {  	_ =	shalt  }
0x70: {  	_ =	shalt  }
0x71: {  	_ =	shalt  }
0x72: {  	_ =	shalt  }
0x73: {  	_ =	shalt  }
0x74: {  	_ =	shalt  }
0x75: {  	_ =	shalt  }
0x76: {  	_ =	shalt  }
0x77: {  	_ =	shalt  }
0x78: {  	_ =	shalt  }
0x79: {  	_ =	shalt  }
0x7a: {  	_ =	shalt  }
0x7b: {  	_ =	shalt  }
0x7c: {  	_ =	shalt  }
0x7d: {  	_ =	shalt  }
0x7e: {  	_ =	shalt  }
0x7f: {  	_ =	shalt  }
0x80: {  	_ =	shalt  }
0x81: {  	_ =	shalt  }
0x82: {  	_ =	shalt  }
0x83: {  	_ =	shalt  }
0x84: {  	_ =	shalt  }
0x85: {  	_ =	shalt  }
0x86: {  	_ =	shalt  }
0x87: {  	_ =	shalt  }
.Lfunc_end0:
.L_simem_size_0:
called_computation.1_lowered:
.L_overlay_start_0:
0x88: {  	s2 =	sld [smem:$0x3FD9]  }
0x89: {  	s3 =	sld [smem:$0x3FFE];
	_ =	sdelay $0x1  }
0x8a: {  	s1 =	srdreg.scid  }
0x8b: {  	s0 =	sand.u32 $0x1, s1  }
0x8c: {  	s17 =	sshll.u32 s0, $0xA;
	s2 =	sadd.s32 s3, s2  }
0x8d: {  	s2 =	sadd.s32 s2, s17  }
0x8e: {  	[smem:$0x3FC6] =	sst s2  }
0x8f: {  	_ = 	snop  }
0x90: {  	s2 =	sld [smem:$0x3FD0];
	(tm) =	ssettm $0x1  }
0x91: {  	s18 =	sld [smem:$0x3FFB];
	_ =	sdelay $0x3  }
0x92: {  	_ =	strace s18  }
0x93: {  	s3 =	sld [smem:$0x3FFC];
	_ =	sdelay $0x3  }
0x94: {  	_ =	strace s3  }
0x95: {  	s3 =	sld [smem:$0x3FFD];
	_ =	sdelay $0x3  }
0x96: {  	_ =	strace s3  }
0x97: {  	_ =	strace $0x8FFFFFFF  }
0x98: {  	s19 =	sld [smem:$0x3FDB];
	_ =	sdelay $0x1  }
0x99: {  	s4 =	simm.s32 $_scs_section_size  }
0x9a: {  	s5 =	simm.s32 $_size__tile_overlayer_lowered;
	s6 =	simm.s32 $_tile_overlayer_lowered  }
0x9b: {  	s22 =	simm.s32 $0x1BFF;
	s21 =	sshll.u32 s6, $0x1;
	s3 =	sadd.s32 s4, s19  }
0x9c: {  	s7 =	simm.s32 $0x0;
	s20 =	sshll.u32 s5, $0x1;
	s5 =	sadd.s32 s21, s3  }
0x9d: {  	[timem:s7], [sflag:s22] =	dma.local [hbm:s5], s20  }
0x9e: {  	_ =	swait.ge [sflag:s22], s20  }
0x9f: {  	s4 =	ssub.s32 $0x0, s20;
	[sflag:s22] =	ssyncset.done $0x0  }
0xa0: {  	[sflag:s22] =	ssyncadd.s32 s4;
	_ =	sdelay $0x1  }
0xa1: {  	s23 =	simm.s32 $0x1B8B  }
0xa2: {  	_ =	swait.ge [sflag:s23], $0x1  }
0xa3: {  	[sflag:s23] =	ssyncset.done $0x0  }
0xa4: {  	s25 =	simm.s32 $0x1B8E;
	s24 =	sld [smem:$0x3FFE];
	[sflag:s23] =	ssyncadd.s32 $0xFFFFFFFF  }
0xa5: {  	s26 =	simm.s32 $execute0_lowered;
	[smem:$0x3FD2] =	sst s25  }
0xa6: {  	s5 =	sshll.u32 s26, $0x1;
	_ =	strace $0x80000046;
	[dreg:$0x1] =	wrdreg $0xFFFFFFFF  }
0xa7: {  	s28 =	simm.s32 $_size_execute0_lowered;
	s3 =	sadd.s32 s3, s5;
	[dreg:$0x0] =	wrdreg $0x0  }
0xa8: {  	s5 =	sshll.u32 s28, $0x1;
	[dreg:$0x2] =	wrdreg s3  }
0xa9: {  	[dreg:$0x3] =	wrdreg s5  }
0xaa: {  	[dreg:$0x4] =	wrdreg $0xC0  }
0xab: {  	_ =	task [dreg:s7], $0x5FFFF  }
0xac: {  	[dreg:$0x1] =	wrdreg $0xFFFFFFFF  }
0xad: {  	[dreg:$0x0] =	wrdreg $0x60  }
0xae: {  	[dreg:$0x2] =	wrdreg s24  }
0xaf: {  	[dreg:$0x3] =	wrdreg s2  }
0xb0: {  	[dreg:$0x4] =	wrdreg $0x9  }
0xb1: {  	_ =	task.clear_ibuf [dreg:s7], $0x5FFFF;
	_ =	strace $0x90000046  }
0xb2: {  	s29 =	simm.s32 $0x9;
	_ =	strace $0x80000048  }
0xb3: {  	_ =	swait.ge [sflag:s29], $0x1  }
0xb4: {  	[sflag:s29] =	ssyncadd.s32 $0xFFFFFFFF  }
0xb5: {  	_ =	strace $0x90000048  }
0xb6: {  	_ =	sfence  }
0xb7: {  	s30 =	sld [smem:$0x0];
	_ =	sdelay $0x2  }
0xb8: {  	s31 =	sshll.u32 s1, $0xD;
	s1 =	sshrl.u32 s1, $0x2  }
0xb9: {  	s3 =	sand.u32 $0x4000, s31;
	s1 =	sadd.s32 s1, s30  }
0xba: {  	s0 =	sor.u32 s3, s0;
	s1 =	sshll.u32 s1, $0x11  }
0xbb: {  	s0 =	sor.u32 s1, s0  }
0xbc: {  	s0 =	sadd.s32 $0x8F2B, s0  }
0xbd: {  	[sflag:s0] =	ssyncadd.remote.s32 $0x1  }
0xbe: {  	_ =	sfence.sel $0xFFFF  }
0xbf: {  	[dreg:$0x0] =	wrdreg $0xFFFFFFFF;
	(pc) =	sbr.abs _section_cstart, $3  }
0xc0: {  	[dreg:$0x1] =	wrdreg $0xFFFFFFFF  }
0xc1: {  	_ =	task.clear_ibuf [dreg:s7], $0x2FFFF;
	_ =	strace $0x9FFFFFFF  }
0xc2: {  	(tm) =	ssettm $0x7FFFFFFF  }
0xc3: {  	_ =	shalt  }
tec
execute0_lowered:
.L_overlay_start_1:
0x0: {  	(tag) =	ssettag $0x1  }
0x1: {  	s3 =	rddreg [dreg:$0x0];
	s1 =	srdreg.scid  }
0x2: {  	s0 =	stileid.u32;
	s6 =	rddreg [dreg:$0x1];
	s2 =	simm.s32 $0x0  }
0x3: {  	s25 =	simm.s32 $0x7480;
	s26 =	simm.s32 $0x8100;
	s28 =	simm.s32 $0x8D80  }
0x4: {  	s29 =	simm.s32 $0x9A00;
	s30 =	simm.s32 $0xA680;
	s31 =	simm.s32 $0xB300  }
0x5: {  	s10 =	simm.s32 $0xBF80;
	s7 =	sand.u32 $0x1, s1;
	s1 =	rddreg [dreg:$0x2]  }
0x6: {  	s11 =	simm.s32 $0xD880;
	s12 =	simm.s32 $0xE500;
	[smem:$0x7FF] =	sst s2  }
0x7: {  	s13 =	simm.s32 $0xF180;
	_ =	strace $0x80000047;
	[dreg:$0x3] =	wrdreg s25  }
0x8: {  	s14 =	simm.s32 $0xFE00;
	s15 =	simm.s32 $0x10A80;
	[dreg:$0x4] =	wrdreg s26  }
0x9: {  	s16 =	simm.s32 $0x11700;
	s17 =	simm.s32 $0x12380;
	[dreg:$0x5] =	wrdreg s28  }
0xa: {  	s18 =	simm.s32 $0x1;
	s19 =	simm.s32 $0x0;
	[dreg:$0x6] =	wrdreg s29  }
0xb: {  	s4 =	sshll.u32 s0, $0x1;
	s9 =	smul.u32 $0x32000, s0;
	[dreg:$0x7] =	wrdreg s30  }
0xc: {  	s4 =	sor.u32 s7, s4;
	s5 =	ssub.s32 $0x2, s7;
	[dreg:$0x8] =	wrdreg s31  }
0xd: {  	s7 =	smul.u32 $0x19000, s7;
	[dreg:$0x9] =	wrdreg s10;
	s10 =	simm.s32 $0xCC00  }
0xe: {  	s4 =	smul.u32 $0xD00, s4;
	s8 =	sshrl.u32 s5, $0x1;
	s6 =	sadd.s32 s9, s6  }
0xf: {  	s9 =	simm.s32 $0x6800;
	s5 =	ssub.s32 s5, s8;
	s6 =	sadd.s32 s7, s6  }
0x10: {  	s7 =	simm.s32 $0x2;
	s8 =	simm.s32 $0x64;
	s4 =	sadd.s32 s4, s3  }
0x11: {  	s3 =	sadd.s32 $0xF42E00, s3;
	s5 =	smax.u32 s5, $0x1;
	s4 =	sadd.s32 $0xA00, s4  }
.LBB2_1:
0x12: {  	[tilespmem:s2], [sflag:$0x2] =	stream.linear.gather [hbm4b:s4+s2], $0x6800, $0x38;
	[tilespmem:$0x13000] =	vst v63  }
0x13: {  	_ =	swait.ge [sflag:s7], $0x6800  }
0x14: {  	[sflag:s7] =	ssyncset.done $0x0  }
0x15: {  	s20 =	simm.s32 $0x0;
	[sflag:s7] =	ssyncadd.s32 $0xFFFF9800  }
0x16: {  	[tilespmem:s9], [sflag:$0x1] =	stream.indirect.gather [hbm4b:s3+s8], $0x20, s20, s8, $0xb8;
	[tilespmem:$0x13000] =	vst v63  }
0x17: {  	s29 =	simm.s32 $0x68;
	s21 =	rddreg [dreg:$0x3]  }
0x18: {  	[tilespmem:s21], [sflag:$0x1] =	stream.indirect.gather [hbm4b:s3+s8], $0x20, s29, s8, $0xb8;
	[tilespmem:$0x13000] =	vst v63  }
0x19: {  	s30 =	simm.s32 $0xD0;
	s22 =	rddreg [dreg:$0x4]  }
0x1a: {  	[tilespmem:s22], [sflag:$0x1] =	stream.indirect.gather [hbm4b:s3+s8], $0x20, s30, s8, $0xb8;
	[tilespmem:$0x13000] =	vst v63  }
0x1b: {  	s23 =	simm.s32 $0x138;
	s31 =	rddreg [dreg:$0x5]  }
0x1c: {  	[tilespmem:s31], [sflag:$0x1] =	stream.indirect.gather [hbm4b:s3+s8], $0x20, s23, s8, $0xb8;
	[tilespmem:$0x13000] =	vst v63  }
0x1d: {  	s25 =	simm.s32 $0x1A0;
	s24 =	rddreg [dreg:$0x6]  }
0x1e: {  	[tilespmem:s24], [sflag:$0x1] =	stream.indirect.gather [hbm4b:s3+s8], $0x20, s25, s8, $0xb8;
	[tilespmem:$0x13000] =	vst v63  }
0x1f: {  	s28 =	simm.s32 $0x208;
	s26 =	rddreg [dreg:$0x7]  }
0x20: {  	[tilespmem:s26], [sflag:$0x1] =	stream.indirect.gather [hbm4b:s3+s8], $0x20, s28, s8, $0xb8;
	[tilespmem:$0x13000] =	vst v63  }
0x21: {  	s29 =	rddreg [dreg:$0x8];
	s30 =	simm.s32 $0x270  }
0x22: {  	[tilespmem:s29], [sflag:$0x1] =	stream.indirect.gather [hbm4b:s3+s8], $0x20, s30, s8, $0xb8;
	[tilespmem:$0x13000] =	vst v63  }
0x23: {  	s22 =	simm.s32 $0x2D8;
	s31 =	rddreg [dreg:$0x9]  }
0x24: {  	[tilespmem:s31], [sflag:$0x1] =	stream.indirect.gather [hbm4b:s3+s8], $0x20, s22, s8, $0xb8;
	[tilespmem:$0x13000] =	vst v63  }
0x25: {  	s23 =	simm.s32 $0x340  }
0x26: {  	[tilespmem:s10], [sflag:$0x1] =	stream.indirect.gather [hbm4b:s3+s8], $0x20, s23, s8, $0xb8;
	[tilespmem:$0x13000] =	vst v63  }
0x27: {  	s24 =	simm.s32 $0x3A8  }
0x28: {  	[tilespmem:s11], [sflag:$0x1] =	stream.indirect.gather [hbm4b:s3+s8], $0x20, s24, s8, $0xb8;
	[tilespmem:$0x13000] =	vst v63  }
0x29: {  	s25 =	simm.s32 $0x410  }
0x2a: {  	[tilespmem:s12], [sflag:$0x1] =	stream.indirect.gather [hbm4b:s3+s8], $0x20, s25, s8, $0xb8;
	[tilespmem:$0x13000] =	vst v63  }
0x2b: {  	s26 =	simm.s32 $0x478  }
0x2c: {  	[tilespmem:s13], [sflag:$0x1] =	stream.indirect.gather [hbm4b:s3+s8], $0x20, s26, s8, $0xb8;
	[tilespmem:$0x13000] =	vst v63  }
0x2d: {  	s28 =	simm.s32 $0x4E0  }
0x2e: {  	[tilespmem:s14], [sflag:$0x1] =	stream.indirect.gather [hbm4b:s3+s8], $0x20, s28, s8, $0xb8;
	[tilespmem:$0x13000] =	vst v63  }
0x2f: {  	s29 =	simm.s32 $0x548  }
0x30: {  	[tilespmem:s15], [sflag:$0x1] =	stream.indirect.gather [hbm4b:s3+s8], $0x20, s29, s8, $0xb8;
	[tilespmem:$0x13000] =	vst v63  }
0x31: {  	s30 =	simm.s32 $0x5B0  }
0x32: {  	[tilespmem:s16], [sflag:$0x1] =	stream.indirect.gather [hbm4b:s3+s8], $0x20, s30, s8, $0xb8;
	[tilespmem:$0x13000] =	vst v63  }
0x33: {  	s31 =	simm.s32 $0x618  }
0x34: {  	[tilespmem:s17], [sflag:$0x1] =	stream.indirect.gather [hbm4b:s3+s8], $0x20, s31, s8, $0xb8;
	[tilespmem:$0x13000] =	vst v63  }
0x35: {  	_ =	swait.ge [sflag:s18], $0xC800  }
0x36: {  	[sflag:s18] =	ssyncset.done $0x0  }
0x37: {  	[sflag:s18] =	ssyncadd.s32 $0xFFFF3800  }
0x38: {  	[hbm4b:s6+s2] =	stream.linear.scatter [tilespmem:s9], [sflag:$0x2], $0xC800, $0x38;
	[tilespmem:$0x13000] =	vst v63  }
0x39: {  	s20 =	sadd.s32 $0x1900, s6;
	_ =	swait.ge [sflag:s7], $0xC800  }
0x3a: {  	s21 =	simm.s32 $0x1A00;
	s24 =	simm.s32 $0x3400;
	[sflag:s7] =	ssyncset.done $0x0  }
.LBB2_2:
0x3b: {  	s23 =	sshra.s32 s21, $0x2;
	[sflag:s7] =	ssyncadd.s32 $0xFFFF3800  }
0x3c: {  	[tilespmem:s9], [sflag:$0x1] =	stream.indirect.gather [hbm4b:s3+s8], $0x20, s23, s8, $0xb8;
	[tilespmem:$0x13000] =	vst v63  }
0x3d: {  	s25 =	rddreg [dreg:$0x3];
	s26 =	sadd.s32 $0x68, s23  }
0x3e: {  	[tilespmem:s25], [sflag:$0x1] =	stream.indirect.gather [hbm4b:s3+s8], $0x20, s26, s8, $0xb8;
	[tilespmem:$0x13000] =	vst v63  }
0x3f: {  	s28 =	rddreg [dreg:$0x4];
	s26 =	sadd.s32 $0xD0, s23  }
0x40: {  	[tilespmem:s28], [sflag:$0x1] =	stream.indirect.gather [hbm4b:s3+s8], $0x20, s26, s8, $0xb8;
	[tilespmem:$0x13000] =	vst v63  }
0x41: {  	s29 =	rddreg [dreg:$0x5];
	s30 =	sadd.s32 $0x138, s23  }
0x42: {  	[tilespmem:s29], [sflag:$0x1] =	stream.indirect.gather [hbm4b:s3+s8], $0x20, s30, s8, $0xb8;
	[tilespmem:$0x13000] =	vst v63  }
0x43: {  	s31 =	rddreg [dreg:$0x6];
	s28 =	sadd.s32 $0x1A0, s23  }
0x44: {  	[tilespmem:s31], [sflag:$0x1] =	stream.indirect.gather [hbm4b:s3+s8], $0x20, s28, s8, $0xb8;
	[tilespmem:$0x13000] =	vst v63  }
0x45: {  	s29 =	rddreg [dreg:$0x7];
	s30 =	sadd.s32 $0x208, s23  }
0x46: {  	[tilespmem:s29], [sflag:$0x1] =	stream.indirect.gather [hbm4b:s3+s8], $0x20, s30, s8, $0xb8;
	[tilespmem:$0x13000] =	vst v63  }
0x47: {  	s31 =	rddreg [dreg:$0x8];
	s28 =	sadd.s32 $0x270, s23  }
0x48: {  	[tilespmem:s31], [sflag:$0x1] =	stream.indirect.gather [hbm4b:s3+s8], $0x20, s28, s8, $0xb8;
	[tilespmem:$0x13000] =	vst v63  }
0x49: {  	s29 =	rddreg [dreg:$0x9];
	s30 =	sadd.s32 $0x2D8, s23  }
0x4a: {  	[tilespmem:s29], [sflag:$0x1] =	stream.indirect.gather [hbm4b:s3+s8], $0x20, s30, s8, $0xb8;
	[tilespmem:$0x13000] =	vst v63  }
0x4b: {  	s31 =	sadd.s32 $0x340, s23  }
0x4c: {  	[tilespmem:s10], [sflag:$0x1] =	stream.indirect.gather [hbm4b:s3+s8], $0x20, s31, s8, $0xb8;
	[tilespmem:$0x13000] =	vst v63  }
0x4d: {  	s25 =	sadd.s32 $0x3A8, s23  }
0x4e: {  	[tilespmem:s11], [sflag:$0x1] =	stream.indirect.gather [hbm4b:s3+s8], $0x20, s25, s8, $0xb8;
	[tilespmem:$0x13000] =	vst v63  }
0x4f: {  	s26 =	sadd.s32 $0x410, s23  }
0x50: {  	[tilespmem:s12], [sflag:$0x1] =	stream.indirect.gather [hbm4b:s3+s8], $0x20, s26, s8, $0xb8;
	[tilespmem:$0x13000] =	vst v63  }
0x51: {  	s28 =	sadd.s32 $0x478, s23  }
0x52: {  	[tilespmem:s13], [sflag:$0x1] =	stream.indirect.gather [hbm4b:s3+s8], $0x20, s28, s8, $0xb8;
	[tilespmem:$0x13000] =	vst v63  }
0x53: {  	s29 =	sadd.s32 $0x4E0, s23  }
0x54: {  	[tilespmem:s14], [sflag:$0x1] =	stream.indirect.gather [hbm4b:s3+s8], $0x20, s29, s8, $0xb8;
	[tilespmem:$0x13000] =	vst v63  }
0x55: {  	s30 =	sadd.s32 $0x548, s23  }
0x56: {  	[tilespmem:s15], [sflag:$0x1] =	stream.indirect.gather [hbm4b:s3+s8], $0x20, s30, s8, $0xb8;
	[tilespmem:$0x13000] =	vst v63  }
0x57: {  	s31 =	sadd.s32 $0x5B0, s23  }
0x58: {  	[tilespmem:s16], [sflag:$0x1] =	stream.indirect.gather [hbm4b:s3+s8], $0x20, s31, s8, $0xb8;
	[tilespmem:$0x13000] =	vst v63  }
0x59: {  	s23 =	sadd.s32 $0x618, s23  }
0x5a: {  	[tilespmem:s17], [sflag:$0x1] =	stream.indirect.gather [hbm4b:s3+s8], $0x20, s23, s8, $0xb8;
	[tilespmem:$0x13000] =	vst v63  }
0x5b: {  	p0 =	sne.s32 s24, $0x18600;
	_ =	swait.ge [sflag:s18], $0xC800  }
.Ltmp0:
0x5c: {  	[sflag:s18] =	ssyncset.done $0x0;
	(pc) =	sbr.rel @p0 .LBB2_2-.Ltmp0, $4  }
0x5d: {  	[sflag:s18] =	ssyncadd.s32 $0xFFFF3800  }
0x5e: {  	[hbm4b:s20+s2] =	stream.linear.scatter [tilespmem:s9], [sflag:$0x2], $0xC800, $0x38;
	[tilespmem:$0x13000] =	vst v63  }
0x5f: {  	s21 =	smov.u32 s24;
	s22 =	sadd.s32 $0x1A00, s24;
	_ =	swait.ge [sflag:s7], $0xC800  }
0x60: {  	s24 =	smov.u32 s22;
	s20 =	sadd.s32 $0x1900, s20;
	[sflag:s7] =	ssyncset.done $0x0  }
0x61: {  	s21 =	sshra.s32 s21, $0x2;
	[sflag:s7] =	ssyncadd.s32 $0xFFFF3800  }
0x62: {  	[tilespmem:s9], [sflag:$0x1] =	stream.indirect.gather [hbm4b:s3+s8], $0x20, s21, s8, $0xb8;
	[tilespmem:$0x13000] =	vst v63  }
0x63: {  	s22 =	rddreg [dreg:$0x3];
	s23 =	sadd.s32 $0x68, s21  }
0x64: {  	[tilespmem:s22], [sflag:$0x1] =	stream.indirect.gather [hbm4b:s3+s8], $0x20, s23, s8, $0xb8;
	[tilespmem:$0x13000] =	vst v63  }
0x65: {  	s24 =	rddreg [dreg:$0x4];
	s28 =	sadd.s32 $0xD0, s21  }
0x66: {  	[tilespmem:s24], [sflag:$0x1] =	stream.indirect.gather [hbm4b:s3+s8], $0x20, s28, s8, $0xb8;
	[tilespmem:$0x13000] =	vst v63  }
0x67: {  	s29 =	rddreg [dreg:$0x5];
	s30 =	sadd.s32 $0x138, s21  }
0x68: {  	[tilespmem:s29], [sflag:$0x1] =	stream.indirect.gather [hbm4b:s3+s8], $0x20, s30, s8, $0xb8;
	[tilespmem:$0x13000] =	vst v63  }
0x69: {  	s31 =	rddreg [dreg:$0x6];
	s23 =	sadd.s32 $0x1A0, s21  }
0x6a: {  	[tilespmem:s31], [sflag:$0x1] =	stream.indirect.gather [hbm4b:s3+s8], $0x20, s23, s8, $0xb8;
	[tilespmem:$0x13000] =	vst v63  }
0x6b: {  	s25 =	rddreg [dreg:$0x7];
	s26 =	sadd.s32 $0x208, s21  }
0x6c: {  	[tilespmem:s25], [sflag:$0x1] =	stream.indirect.gather [hbm4b:s3+s8], $0x20, s26, s8, $0xb8;
	[tilespmem:$0x13000] =	vst v63  }
0x6d: {  	s28 =	rddreg [dreg:$0x8];
	s29 =	sadd.s32 $0x270, s21  }
0x6e: {  	[tilespmem:s28], [sflag:$0x1] =	stream.indirect.gather [hbm4b:s3+s8], $0x20, s29, s8, $0xb8;
	[tilespmem:$0x13000] =	vst v63  }
0x6f: {  	s30 =	rddreg [dreg:$0x9];
	s31 =	sadd.s32 $0x2D8, s21  }
0x70: {  	[tilespmem:s30], [sflag:$0x1] =	stream.indirect.gather [hbm4b:s3+s8], $0x20, s31, s8, $0xb8;
	[tilespmem:$0x13000] =	vst v63  }
0x71: {  	s24 =	sadd.s32 $0x340, s21  }
0x72: {  	[tilespmem:s10], [sflag:$0x1] =	stream.indirect.gather [hbm4b:s3+s8], $0x20, s24, s8, $0xb8;
	[tilespmem:$0x13000] =	vst v63  }
0x73: {  	s25 =	sadd.s32 $0x3A8, s21  }
0x74: {  	[tilespmem:s11], [sflag:$0x1] =	stream.indirect.gather [hbm4b:s3+s8], $0x20, s25, s8, $0xb8;
	[tilespmem:$0x13000] =	vst v63  }
0x75: {  	s26 =	sadd.s32 $0x410, s21  }
0x76: {  	[tilespmem:s12], [sflag:$0x1] =	stream.indirect.gather [hbm4b:s3+s8], $0x20, s26, s8, $0xb8;
	[tilespmem:$0x13000] =	vst v63  }
0x77: {  	s28 =	sadd.s32 $0x478, s21  }
0x78: {  	[tilespmem:s13], [sflag:$0x1] =	stream.indirect.gather [hbm4b:s3+s8], $0x20, s28, s8, $0xb8;
	[tilespmem:$0x13000] =	vst v63  }
0x79: {  	s29 =	sadd.s32 $0x4E0, s21  }
0x7a: {  	[tilespmem:s14], [sflag:$0x1] =	stream.indirect.gather [hbm4b:s3+s8], $0x20, s29, s8, $0xb8;
	[tilespmem:$0x13000] =	vst v63  }
0x7b: {  	s30 =	sadd.s32 $0x548, s21  }
0x7c: {  	[tilespmem:s15], [sflag:$0x1] =	stream.indirect.gather [hbm4b:s3+s8], $0x20, s30, s8, $0xb8;
	[tilespmem:$0x13000] =	vst v63  }
0x7d: {  	s31 =	sadd.s32 $0x5B0, s21  }
0x7e: {  	[tilespmem:s16], [sflag:$0x1] =	stream.indirect.gather [hbm4b:s3+s8], $0x20, s31, s8, $0xb8;
	[tilespmem:$0x13000] =	vst v63  }
0x7f: {  	s21 =	sadd.s32 $0x618, s21  }
0x80: {  	[tilespmem:s17], [sflag:$0x1] =	stream.indirect.gather [hbm4b:s3+s8], $0x20, s21, s8, $0xb8;
	[tilespmem:$0x13000] =	vst v63  }
0x81: {  	s19 =	sadd.s32 $0x1, s19;
	_ =	swait.ge [sflag:s18], $0xC800  }
0x82: {  	p0 =	sne.s32 s19, s5;
	[sflag:s18] =	ssyncset.done $0x0  }
.Ltmp1:
0x83: {  	[sflag:s18] =	ssyncadd.s32 $0xFFFF3800;
	(pc) =	sbr.rel @p0 .LBB2_1-.Ltmp1, $4  }
0x84: {  	[hbm4b:s20+s2] =	stream.linear.scatter [tilespmem:s9], [sflag:$0x2], $0xC800, $0x38;
	[tilespmem:$0x13000] =	vst v63  }
0x85: {  	_ =	swait.ge [sflag:s7], $0xC800  }
0x86: {  	[sflag:s7] =	ssyncset.done $0x0  }
0x87: {  	[sflag:s7] =	ssyncadd.s32 $0xFFFF3800  }
0x88: {  	_ =	sfence.sel $0x180000  }
0x89: {  	[bflag:$0x0] =	sbarrier.arrive $0xFFFF  }
0x8a: {  	p0 =	sne.s32 s0, $0x0;
	_ =	strace $0x90000047  }
0x8b: {  	s0 =	sadd.s32 @!p0 $0x100000, s1;
	[bflag:$0x2] =	sbarrier.arrive $0xFFFF  }
0x8c: {  	[sflag:s0] =	ssyncadd.tile.s32 @!p0 $0x1;
	_ =	shalt  }
.Lfunc_end2:
_tile_overlayer_lowered:
.L_overlay_start_2:
0x8d: {  	(tag) =	ssettag $0x2  }
0x8e: {  	s0 =	rddreg [dreg:$0x0];
	s2 =	stileid.u32  }
0x8f: {  	s1 =	rddreg [dreg:$0x1];
	p0 =	sne.s32 s2, $0x0  }
0x90: {  	s3 =	rddreg [dreg:$0x2];
	[bflag:$0x3] =	sbarrier.arrive $0xFFFF;
	s2 =	simm.s32 @!p0 $0x1C02  }
0x91: {  	[timem:s3], [sflag:s2] =	dma.local @!p0 [hbm:s0], s1  }
0x92: {  	s0 =	simm.s32 @!p0 $0x2  }
0x93: {  	_ =	swait.ge @!p0 [sflag:s0], s1  }
0x94: {  	s1 =	ssub.s32 @!p0 $0x0, s1;
	[sflag:s0] =	ssyncset.done @!p0 $0x0  }
0x95: {  	[sflag:s0] =	ssyncadd.s32 @!p0 s1  }
0x96: {  	[bflag:$0x3] =	sbarrier.arrive $0xFFFF  }
0x97: {  	_ =	shalt  }

// kernel: sparse-core-data-format-call.cloned.1.call-start
scs
called_computation_lowered:
.L_overlay_start_0:
0x0: {  	s2 =	sld [smem:$0x3FD9]  }
0x1: {  	s3 =	sld [smem:$0x3FFE];
	_ =	sdelay $0x1  }
0x2: {  	s1 =	srdreg.scid  }
0x3: {  	s0 =	sand.u32 $0x1, s1  }
0x4: {  	s18 =	sshll.u32 s0, $0xA;
	s2 =	sadd.s32 s3, s2  }
0x5: {  	s2 =	sadd.s32 s2, s18  }
0x6: {  	[smem:$0x3FC6] =	sst s2  }
0x7: {  	_ = 	snop  }
0x8: {  	s2 =	sld [smem:$0x3FD0];
	(tm) =	ssettm $0x1  }
0x9: {  	s19 =	sld [smem:$0x3FFB];
	_ =	sdelay $0x3  }
0xa: {  	_ =	strace s19  }
0xb: {  	s3 =	sld [smem:$0x3FFC];
	_ =	sdelay $0x3  }
0xc: {  	_ =	strace s3  }
0xd: {  	s3 =	sld [smem:$0x3FFD];
	_ =	sdelay $0x3  }
0xe: {  	_ =	strace s3  }
0xf: {  	_ =	strace $0x8FFFFFFF  }
0x10: {  	s20 =	sld [smem:$0x3FDB];
	_ =	sdelay $0x1  }
0x11: {  	s4 =	simm.s32 $_scs_section_size  }
0x12: {  	s5 =	simm.s32 $_size__tile_overlayer_lowered;
	s6 =	simm.s32 $_tile_overlayer_lowered  }
0x13: {  	s23 =	simm.s32 $0x1BFF;
	s22 =	sshll.u32 s6, $0x1;
	s3 =	sadd.s32 s4, s20  }
0x14: {  	s7 =	simm.s32 $0x0;
	s21 =	sshll.u32 s5, $0x1;
	s5 =	sadd.s32 s22, s3  }
0x15: {  	[timem:s7], [sflag:s23] =	dma.local [hbm:s5], s21  }
0x16: {  	_ =	swait.ge [sflag:s23], s21  }
0x17: {  	s4 =	ssub.s32 $0x0, s21;
	[sflag:s23] =	ssyncset.done $0x0  }
0x18: {  	[sflag:s23] =	ssyncadd.s32 s4;
	_ =	sdelay $0x1  }
0x19: {  	s24 =	simm.s32 $0x1B8B  }
0x1a: {  	_ =	swait.ge [sflag:s24], $0x1  }
0x1b: {  	[sflag:s24] =	ssyncset.done $0x0  }
0x1c: {  	s26 =	simm.s32 $0x1B8E;
	s25 =	sld [smem:$0x3FFE];
	[sflag:s24] =	ssyncadd.s32 $0xFFFFFFFF  }
0x1d: {  	s27 =	simm.s32 $execute0_lowered;
	[smem:$0x3FD2] =	sst s26  }
0x1e: {  	s5 =	sshll.u32 s27, $0x1;
	_ =	strace $0x80000049;
	[dreg:$0x1] =	wrdreg $0xFFFFFFFF  }
0x1f: {  	s28 =	simm.s32 $_size_execute0_lowered;
	s3 =	sadd.s32 s3, s5;
	[dreg:$0x0] =	wrdreg $0x0  }
0x20: {  	s5 =	sshll.u32 s28, $0x1;
	[dreg:$0x2] =	wrdreg s3  }
0x21: {  	[dreg:$0x3] =	wrdreg s5  }
0x22: {  	[dreg:$0x4] =	wrdreg $0xC0  }
0x23: {  	_ =	task [dreg:s7], $0x5FFFF  }
0x24: {  	[dreg:$0x1] =	wrdreg $0xFFFFFFFF  }
0x25: {  	[dreg:$0x0] =	wrdreg $0x60  }
0x26: {  	[dreg:$0x2] =	wrdreg s25  }
0x27: {  	[dreg:$0x3] =	wrdreg s2  }
0x28: {  	[dreg:$0x4] =	wrdreg $0x9  }
0x29: {  	_ =	task.clear_ibuf [dreg:s7], $0x5FFFF;
	_ =	strace $0x90000049  }
0x2a: {  	s29 =	simm.s32 $0x9;
	_ =	strace $0x8000004B  }
0x2b: {  	_ =	swait.ge [sflag:s29], $0x1  }
0x2c: {  	[sflag:s29] =	ssyncadd.s32 $0xFFFFFFFF  }
0x2d: {  	_ =	strace $0x9000004B  }
0x2e: {  	_ =	sfence  }
0x2f: {  	s30 =	sld [smem:$0x0];
	_ =	sdelay $0x2  }
0x30: {  	s31 =	sshll.u32 s1, $0xD;
	s1 =	sshrl.u32 s1, $0x2  }
0x31: {  	s3 =	sand.u32 $0x4000, s31;
	s1 =	sadd.s32 s1, s30  }
0x32: {  	s0 =	sor.u32 s3, s0;
	s1 =	sshll.u32 s1, $0x11  }
0x33: {  	s0 =	sor.u32 s1, s0  }
0x34: {  	s0 =	sadd.s32 $0x8F2B, s0  }
0x35: {  	[sflag:s0] =	ssyncadd.remote.s32 $0x1  }
0x36: {  	_ =	sfence.sel $0xFFFF  }
0x37: {  	[dreg:$0x0] =	wrdreg $0xFFFFFFFF;
	(pc) =	sbr.abs _section_cstart, $3  }
0x38: {  	[dreg:$0x1] =	wrdreg $0xFFFFFFFF  }
0x39: {  	_ =	task.clear_ibuf [dreg:s7], $0x2FFFF;
	_ =	strace $0x9FFFFFFF  }
0x3a: {  	(tm) =	ssettm $0x7FFFFFFF  }
0x3b: {  	_ =	shalt  }
tec
execute0_lowered:
.L_overlay_start_1:
0x0: {  	(tag) =	ssettag $0x1  }
0x1: {  	s0 =	srdreg.scid  }
0x2: {  	s1 =	sshll.u32 s0, $0x4  }
0x3: {  	s0 =	stileid.u32;
	s1 =	sand.u32 $0x10, s1  }
0x4: {  	s1 =	sor.u32 s0, s1  }
0x5: {  	s6 =	rddreg [dreg:$0x0];
	s4 =	simm.s32 $0x1;
	s2 =	sshll.u32 s1, $0x7  }
0x6: {  	s7 =	simm.s32 $0x2;
	s12 =	simm.s32 $0x0;
	s1 =	ssub.s32 $0x1000, s2  }
0x7: {  	s8 =	simm.s32 $0x8000;
	s13 =	simm.s32 $0x0;
	s3 =	sand.u32 $0xF80, s1  }
0x8: {  	s9 =	simm.s32 $0x0;
	s5 =	sshrl.u32 s1, $0xC;
	p0 =	sne.s32 s3, $0x0  }
.Ltmp0:
0x9: {  	s1 =	rddreg [dreg:$0x2];
	s4 =	simm.s32 @!p0 $0x0;
	(pc) =	sbr.rel .LBB1_1-.Ltmp0, $4  }
0xa: {  	s11 =	simm.s32 $0x0;
	s3 =	rddreg [dreg:$0x1];
	s5 =	sadd.s32 s4, s5  }
0xb: {  	_ =	strace $0x8000004A;
	s4 =	simm.s32 $0x1;
	s5 =	smul.u32 $0xC8, s5  }
0xc: {  	s6 =	sadd.s32 $0xA00, s6;
	s10 =	smov.u32 s2;
	[sflag:s4] =	ssyncpa.u1 $0x0  }
0xd: {  	p0 =	por $0x0, $0x0;
	[sflag:s7] =	ssyncpa.u1 $0x0;
	s7 =	sor.u32 $0x1, s5  }
.LBB1_4:
0xe: {  	s16 =	sshll.u32 s13, $0x3;
	s17 =	sand.u32 $0x78, s13  }
0xf: {  	s30 =	sand.u32 $0x3E00, s13;
	s12 =	sshll.u32 s12, $0xE;
	s16 =	sand.u32 $0xC00, s16  }
0x10: {  	s31 =	sand.u32 $0x7, s13;
	s16 =	sor.u32 s17, s16;
	s17 =	sadd.s32 s3, s30  }
0x11: {  	s13 =	sshll.u32 s31, $0x12;
	s16 =	sshrl.u32 s16, $0x3;
	s12 =	sadd.s32 s12, s17  }
0x12: {  	[tilespmem:s15+$0x0 ss:$0x81] =	vst.msk $0xffff, v0;
	s13 =	sor.u32 $0x400, s13;
	s12 =	sadd.s32 s16, s12  }
0x13: {  	[hbm4b:s12+s13] =	stream.strided.scatter [tilespmem:s14], [sflag:$0x2], $0x1000, s8, s13, $0x20;
	[tilespmem:$0x4040] =	vst v63  }
.LBB1_5:
0x14: {  	s14 =	sadd.s32 $0x1, s9  }
0x15: {  	s12 =	sadd.s32 $0x1000, s10;
	s16 =	smov.u32 s10;
	p2 =	sgt.s32 s14, $0xC7  }
0x16: {  	s16 =	smov.u32 @p2 s12  }
0x17: {  	s14 =	simm.s32 @p2 $0x0;
	p2 =	sgt.s32 s16, $0xFFF  }
0x18: {  	s16 =	smov.u32 @p2 s2;
	p2 =	sne.s32 s11, s7  }
.Ltmp1:
0x19: {  	p1 =	slt.u32 s11, $0x2;
	(pc) =	sbr.rel @!p2 .LBB1_6-.Ltmp1, $4  }
0x1a: {  	s15 =	simm.s32 @!p1 $0x2  }
0x1b: {  	s13 =	smov.u32 s10;
	p0 =	por !p0, !p0;
	_ =	swait.ge @!p1 [sflag:s15], $0x1000  }
0x1c: {  	s12 =	smov.u32 s9;
	[sflag:s15] =	ssyncset.done @!p1 $0x0;
	s9 =	smov.u32 s14  }
0x1d: {  	s11 =	sadd.s32 $0x1, s11;
	[sflag:s15] =	ssyncadd.s32 @!p1 $0xFFFFF000;
	s10 =	smov.u32 s16  }
.LBB1_1:
0x1e: {  	p1 =	sge.u32 s11, s5  }
0x1f: {  	s14 =	sand.u32 @!p1 $0x1FFFFFF, s9  }
0x20: {  	s15 =	smulhi.u32 @!p1 $0x147AE15, s14;
	_ =	sdelay $0x1  }
0x21: {  	s15 =	smul.u32 @!p1 $0xC8, s15  }
0x22: {  	s16 =	sxor.u32 @!p1 $0xFFFFFFFF, s11;
	s17 =	smul.u32 @!p1 $0xC80, s10  }
0x23: {  	s31 =	sadd.s32 $0xFFFFFFFF, s11;
	s16 =	sshll.u32 @!p1 s16, $0xC;
	s14 =	ssub.s32 @!p1 s14, s15  }
0x24: {  	s15 =	sand.u32 @!p1 $0x1000, s16;
	s16 =	sadd.s32 @!p1 s6, s17;
	s14 =	sshll.u32 @!p1 s14, $0x4  }
0x25: {  	s17 =	simm.s32 @!p1 $0x6400;
	s14 =	sadd.s32 @!p1 s14, s16;
	s16 =	simm.s32 @!p1 $0x20  }
0x26: {  	[tilespmem:s15], [sflag:$0x1] =	stream.strided.gather @!p1 [hbm4b:s14+s16], $0x1000, s17, s16, $0x38;
	[tilespmem:$0x4040] =	vst v63  }
0x27: {  	p1 =	sge.u32 s31, s5  }
.Ltmp2:
0x28: {  	_ = 	snop;
	(pc) =	sbr.rel @p1 .LBB1_5-.Ltmp2, $1  }
0x29: {  	_ =	sdelay $0x3  }
0x2a: {  	s14 =	simm.s32 $0x1  }
0x2b: {  	_ =	swait.ge [sflag:s4], $0x1000;
	s14 =	simm.s32 @!p0 $0x0  }
0x2c: {  	[sflag:s4] =	ssyncset.done $0x0;
	s15 =	sshll.u32 s14, $0xC  }
0x2d: {  	[sflag:s4] =	ssyncadd.s32 $0xFFFFF000;
	s18 =	sor.u32 $0x10, s15  }
0x2e: {  	s14 =	smul.u32 $0x4080, s14;
	v1 =	vld [tilespmem:s18+$0x0]  }
0x2f: {  	s30 =	sand.u32 $0x1, s11;
	v0 =	vld [tilespmem:s18+$0xFFFFFFF0]  }
0x30: {  	s15 =	smul.u32 $0x4080, s30;
	s14 =	sshrl.u32 s14, $0x2  }
0x31: {  	s16 =	sor.u32 $0x2000, s14  }
0x32: {  	s31 =	sshrl.u32 s15, $0x2;
	s15 =	sadd.s32 $0x0, s16  }
0x33: {  	s17 =	simm.s32 $0x4;
	s18 =	sadd.s32 $0x20, s18;
	s14 =	sor.u32 $0x2000, s31;
	[tilespmem:s15+$0x810 ss:$0x81] =	vst.msk $0xffff, v1  }
.LBB1_3:
0x34: {  	v1 =	vld [tilespmem:s18+$0x0];
	p1 =	sne.s32 s17, $0x1FC;
	[tilespmem:s15+$0x0 ss:$0x81] =	vst.msk $0xffff, v0;
	s15 =	smov.u32 s17;
	s17 =	sadd.s32 $0x4, s17  }
.Ltmp3:
0x35: {  	v0 =	vld [tilespmem:s18+$0xFFFFFFF0];
	(pc) =	sbr.rel @p1 .LBB1_3-.Ltmp3, $4  }
0x36: {  	_ = 	snop  }
0x37: {  	s15 =	sshra.s32 s15, $0x2  }
0x38: {  	s15 =	sadd.s32 s15, s16  }
0x39: {  	s18 =	sadd.s32 $0x20, s18;
	[tilespmem:s15+$0x810 ss:$0x81] =	vst.msk $0xffff, v1  }
.Ltmp4:
0x3a: {  	_ = 	snop;
	(pc) =	sbr.rel .LBB1_4-.Ltmp4, $1  }
0x3b: {  	_ =	sdelay $0x3  }
.LBB1_6:
0x3c: {  	_ =	sfence.sel $0x180000  }
0x3d: {  	s2 =	simm.s32 $0x1;
	[bflag:$0x0] =	sbarrier.arrive $0xFFFF  }
0x3e: {  	s31 =	simm.s32 $0x2;
	[sflag:s2] =	ssyncpa.u1 $0x1  }
0x3f: {  	[sflag:s31] =	ssyncpa.u1 $0x1  }
0x40: {  	p0 =	sne.s32 s0, $0x0;
	_ =	strace $0x9000004A  }
0x41: {  	s0 =	sadd.s32 @!p0 $0x100000, s1;
	[bflag:$0x2] =	sbarrier.arrive $0xFFFF  }
0x42: {  	[sflag:s0] =	ssyncadd.tile.s32 @!p0 $0x1;
	_ =	shalt  }
.Lfunc_end1:
_tile_overlayer_lowered:
.L_overlay_start_2:
0x43: {  	(tag) =	ssettag $0x2  }
0x44: {  	s0 =	rddreg [dreg:$0x0];
	s2 =	stileid.u32  }
0x45: {  	s1 =	rddreg [dreg:$0x1];
	p0 =	sne.s32 s2, $0x0  }
0x46: {  	s3 =	rddreg [dreg:$0x2];
	[bflag:$0x3] =	sbarrier.arrive $0xFFFF;
	s2 =	simm.s32 @!p0 $0x1C01  }
0x47: {  	[timem:s3], [sflag:s2] =	dma.local @!p0 [hbm:s0], s1  }
0x48: {  	s0 =	simm.s32 @!p0 $0x1  }
0x49: {  	_ =	swait.ge @!p0 [sflag:s0], s1  }
0x4a: {  	s1 =	ssub.s32 @!p0 $0x0, s1;
	[sflag:s0] =	ssyncset.done @!p0 $0x0  }
0x4b: {  	[sflag:s0] =	ssyncadd.s32 @!p0 s1  }
0x4c: {  	[bflag:$0x3] =	sbarrier.arrive $0xFFFF  }
0x4d: {  	_ =	shalt  }

</sc_bundles>
